<compile_context>
chip_gen: v7x
topology: tpu7x:2x2x1
jax: 0.10.2.dev20260603
libtpu: 0.0.44.dev20260713+nightly
codegen_flags: <defaults>
</compile_context>

<pallas_src>
import dataclasses
import functools

import jax
import jax.numpy as jnp
from jax import lax
from jax.experimental import pallas as pl
from jax.experimental.pallas import tpu as pltpu
from jax.experimental.pallas import tpu_sc as plsc

LANES = 16
BATCH = 128
NCORES = 2
NSUB = 16
NTILES = NCORES * NSUB


def _hist_kernel(NP, rows_per_tile):
    mesh = plsc.VectorSubcoreMesh(core_axis_name="c", subcore_axis_name="s")
    cp = pltpu.CompilerParams()
    if "needs_layout_passes" in pltpu.CompilerParams.__dataclass_fields__:
        cp = dataclasses.replace(cp, needs_layout_passes=False)

    @functools.partial(
        pl.kernel,
        out_type=jax.ShapeDtypeStruct((NTILES, NP), jnp.float32),
        mesh=mesh,
        compiler_params=cp,
        scratch_types=[
            pltpu.VMEM((rows_per_tile, BATCH), jnp.int32),
            pltpu.VMEM((NP,), jnp.float32),
        ],
    )
    def k(dst_hbm, out_hbm, dst_v, hist_v):
        c = lax.axis_index("c")
        s = lax.axis_index("s")
        wid = c * NSUB + s

        @pl.loop(0, NP // LANES)
        def _(i):
            hist_v[pl.ds(i * LANES, LANES)] = jnp.zeros((LANES,), jnp.float32)

        pltpu.sync_copy(dst_hbm.at[pl.ds(wid * rows_per_tile, rows_per_tile)],
                        dst_v)
        ones = jnp.ones((LANES,), jnp.float32)

        @pl.loop(0, rows_per_tile)
        def _(j):
            @pl.loop(0, BATCH // LANES)
            def _(g):
                idx = dst_v[j, pl.ds(g * LANES, LANES)]
                plsc.addupdate_scatter(hist_v, [idx], ones)

        pltpu.sync_copy(hist_v, out_hbm.at[wid])

    return k


def _scatter_kernel(NP, D, rows_per_tile, col_split):
    mesh = plsc.VectorSubcoreMesh(core_axis_name="c", subcore_axis_name="s")
    ST = NP // NSUB
    win = rows_per_tile
    while win > 40:
        win //= 2
    assert win % 8 == 0 and win % 2 == 0

    @functools.partial(
        pl.kernel,
        out_type=jax.ShapeDtypeStruct((NCORES, NP, D), jnp.float32),
        mesh=mesh,
        scratch_types=[
            pltpu.VMEM((win, BATCH), jnp.int32),
            pltpu.VMEM((win, BATCH), jnp.int32),
            pltpu.VMEM((BATCH, D), jnp.float32),
            pltpu.VMEM((BATCH, D), jnp.float32),
            pltpu.VMEM_SHARED((NP, D), jnp.float32),
            pltpu.SemaphoreType.DMA,
            pltpu.SemaphoreType.DMA,
        ],
    )
    def k(y_hbm, src_hbm, dst_hbm, out_hbm, src_v, dst_v, buf0, buf1,
          agg_sh, sem0, sem1):
        c = lax.axis_index("c")
        s = lax.axis_index("s")
        base = s * ST

        @pl.loop(0, BATCH)
        def _(i):
            @pl.loop(0, D // LANES)
            def _(kk):
                buf0[i, pl.ds(kk * LANES, LANES)] = (
                    jnp.zeros((LANES,), jnp.float32))

        for r0 in range(0, ST, BATCH):
            sz = min(BATCH, ST - r0)
            pltpu.sync_copy(buf0.at[pl.ds(0, sz)],
                            agg_sh.at[pl.ds(base + r0, sz)])
        plsc.subcore_barrier()

        if col_split:
            row0 = s * rows_per_tile
            table = y_hbm.at[c]
        else:
            row0 = (c * NSUB + s) * rows_per_tile
            table = y_hbm

        nh = win // 2
        for half in range(rows_per_tile // win):
            r0h = row0 + half * win
            pltpu.sync_copy(src_hbm.at[pl.ds(r0h, win)], src_v)
            pltpu.sync_copy(dst_hbm.at[pl.ds(r0h, win)], dst_v)
            pltpu.async_copy(table.at[src_v.at[0]], buf0, sem0)
            pltpu.async_copy(table.at[src_v.at[1]], buf1, sem1)

            @pl.loop(0, nh)
            def _(jj):
                j0 = 2 * jj
                pltpu.make_async_copy(
                    table.at[src_v.at[j0]], buf0, sem0).wait()
                pltpu.sync_copy(buf0, agg_sh.at[dst_v.at[j0]], add=True)

                @pl.when(jj < nh - 1)
                def _():
                    pltpu.async_copy(table.at[src_v.at[j0 + 2]], buf0, sem0)

                pltpu.make_async_copy(
                    table.at[src_v.at[j0 + 1]], buf1, sem1).wait()
                pltpu.sync_copy(buf1, agg_sh.at[dst_v.at[j0 + 1]], add=True)

                @pl.when(jj < nh - 1)
                def _():
                    pltpu.async_copy(table.at[src_v.at[j0 + 3]], buf1, sem1)

        plsc.subcore_barrier()
        pltpu.sync_copy(agg_sh.at[pl.ds(base, ST)],
                        out_hbm.at[c].at[pl.ds(base, ST)])

    return k


def _mm_body(x_ref, w_ref, o_ref):
    o_ref[...] = jnp.dot(x_ref[...], w_ref[...],
                         preferred_element_type=jnp.float32)


def _scale_body(xw_ref, hist_ref, y_ref, dinv_ref):
    deg = jnp.sum(hist_ref[...], axis=0) + 1.0
    dinv = lax.rsqrt(deg)
    dinv_ref[...] = dinv
    y = xw_ref[...] * dinv[:, None]
    h = y.shape[1] // 2
    y_ref[0] = y[:, :h]
    y_ref[1] = y[:, h:]


def _mid_body(agg_ref, y1_ref, dinv_ref, b1_ref, w2_ref, y2_ref):
    dinv = dinv_ref[...][:, None]
    h = w2_ref.shape[0] // 2
    h0 = jnp.maximum((agg_ref[0] + y1_ref[0]) * dinv + b1_ref[:h][None, :],
                     0.0)
    h1 = jnp.maximum((agg_ref[1] + y1_ref[1]) * dinv + b1_ref[h:][None, :],
                     0.0)
    y2 = jnp.dot(h0, w2_ref[:h], preferred_element_type=jnp.float32)
    y2 = y2 + jnp.dot(h1, w2_ref[h:], preferred_element_type=jnp.float32)
    y2_ref[...] = y2 * dinv


def _fin_body(agg_ref, y2_ref, dinv_ref, b2_ref, o_ref):
    dinv = dinv_ref[...][:, None]
    o_ref[...] = ((agg_ref[0] + agg_ref[1] + y2_ref[...]) * dinv
                  + b2_ref[...][None, :])


def kernel(x, edge_index, W1, b1, W2, b2):
    N, F = x.shape
    HID = W1.shape[1]
    C = W2.shape[1]
    E = edge_index.shape[1]

    NP = ((N + 1 + 127) // 128) * 128
    EP = ((E + BATCH * NTILES - 1) // (BATCH * NTILES)) * (BATCH * NTILES)
    pad = EP - E
    nrows = EP // BATCH

    srcp = jnp.concatenate(
        [edge_index[0], jnp.full((pad,), N, jnp.int32)]).reshape(nrows, BATCH)
    dstp = jnp.concatenate(
        [edge_index[1], jnp.full((pad,), N, jnp.int32)]).reshape(nrows, BATCH)
    xp = jnp.concatenate([x, jnp.zeros((NP - N, F), x.dtype)])

    f32 = jnp.float32
    hist = _hist_kernel(NP, nrows // NTILES)(dstp)
    xw1 = pl.pallas_call(
        _mm_body, out_shape=jax.ShapeDtypeStruct((NP, HID), f32))(xp, W1)
    y1, dinv = pl.pallas_call(
        _scale_body,
        out_shape=[jax.ShapeDtypeStruct((2, NP, HID // 2), f32),
                   jax.ShapeDtypeStruct((NP,), f32)])(xw1, hist)
    agg1 = _scatter_kernel(NP, HID // 2, nrows // NSUB, col_split=True)(
        y1, srcp, dstp)
    y2 = pl.pallas_call(
        _mid_body, out_shape=jax.ShapeDtypeStruct((NP, C), f32))(
        agg1, y1, dinv, b1, W2)
    agg2 = _scatter_kernel(NP, C, nrows // NTILES, col_split=False)(
        y2, srcp, dstp)
    out = pl.pallas_call(
        _fin_body, out_shape=jax.ShapeDtypeStruct((NP, C), f32))(
        agg2, y2, dinv, b2)
    return out[:N]

# --- scband reference (transcript-rebuilt; emitter-appended) ---
"""Pipeline reference for scband-gcn-41609643164040 (READ-ONLY COPY).

The authoritative reference and input builder live on the scoring server;
editing this copy changes nothing except your own understanding.
"""

import jax, jax.numpy as jnp
import numpy as np

N = 10000
E = 160000
F_IN = 256
HID = 256
C = 128


def setup_inputs(seed: int = 0) -> dict:
    key = jax.random.key(seed)
    k1, k2, k3, k4, k5, k6 = jax.random.split(key, 6)
    x = jax.random.normal(k1, (N, F_IN), dtype=jnp.float32)
    edge_index = jax.random.randint(k2, (2, E), 0, N, dtype=jnp.int32)
    # GCNConv parameters (glorot-style scaling)
    W1 = jax.random.normal(k3, (F_IN, HID), dtype=jnp.float32) * (1.0 / np.sqrt(F_IN))
    b1 = jnp.zeros((HID,), dtype=jnp.float32)
    W2 = jax.random.normal(k4, (HID, C), dtype=jnp.float32) * (1.0 / np.sqrt(HID))
    b2 = jnp.zeros((C,), dtype=jnp.float32)
    return {"x": x, "edge_index": edge_index, "W1": W1, "b1": b1, "W2": W2, "b2": b2}


def gcn_conv(x, edge_index, W, b):
    # PyG GCNConv: add self loops, symmetric D^-1/2 A_hat D^-1/2 normalization,
    # linear transform, scatter-add aggregation, bias.
    num_nodes = x.shape[0]
    loop = jnp.arange(num_nodes, dtype=edge_index.dtype)
    src = jnp.concatenate([edge_index[0], loop])
    dst = jnp.concatenate([edge_index[1], loop])
    deg = jax.ops.segment_sum(jnp.ones(src.shape[0], dtype=x.dtype), dst, num_segments=num_nodes)
    dinv = jnp.where(deg > 0, deg ** -0.5, 0.0)
    norm = dinv[src] * dinv[dst]
    xw = x @ W
    msg = xw[src] * norm[:, None]
    out = jax.ops.segment_sum(msg, dst, num_segments=num_nodes)
    return out + b


def reference(x, edge_index, W1, b1, W2, b2):
    # dropout p=0.0 -> identity
    h = gcn_conv(x, edge_index, W1, b1)
    h = jax.nn.relu(h)
    out = gcn_conv(h, edge_index, W2, b2)
    return out

if __name__ == "__main__":
    import jax
    _d = setup_inputs()
    print(jax.jit(kernel)(*tuple(_d.values())))

</pallas_src>

<mosaic_0001>
#map = affine_map<(d0, d1) -> (0, 0)>
#map1 = affine_map<(d0, d1) -> (0, 0, 0)>
module attributes {stable_mosaic.version = 14 : i64} {
  func.func @k(%arg0: i32, %arg1: i32, %arg2: memref<10112x128xf32, #tpu.memory_space<hbm>>, %arg3: memref<1280x128xi32, #tpu.memory_space<hbm>>, %arg4: memref<1280x128xi32, #tpu.memory_space<hbm>>, %arg5: memref<2x10112x128xf32, #tpu.memory_space<hbm>>, %arg6: memref<40x128xi32, #tpu.memory_space<vmem>>, %arg7: memref<40x128xi32, #tpu.memory_space<vmem>>, %arg8: memref<128x128xf32, #tpu.memory_space<vmem>>, %arg9: memref<128x128xf32, #tpu.memory_space<vmem>>, %arg10: memref<10112x128xf32, #tpu.memory_space<vmem_shared>>, %arg11: memref<!tpu.dma_semaphore, #tpu.memory_space<semaphore_mem>>, %arg12: memref<!tpu.dma_semaphore, #tpu.memory_space<semaphore_mem>>) attributes {dimension_semantics = [#tpu.dimension_semantics<core_parallel>, #tpu.dimension_semantics<subcore_parallel>], iteration_bounds = array<i64: 2, 16>, scalar_prefetch = 0 : i64, scratch_operands = 7 : i64, tpu.core_type = #tpu.core_type<sc_vector_subcore>, window_params = [{transform_indices = #map}, {transform_indices = #map}, {transform_indices = #map}, {transform_indices = #map1}]} {
    %mul3A = arith.constant 632 : i32
    %mul3A_0 = arith.muli %arg1, %mul3A : i32
    %scan3A = arith.constant 0 : i32
    %scan3A_1 = arith.constant 128 : i32
    %scan3A_2 = arith.addi %scan3A, %scan3A_1 : i32
    %scan3A_3 = arith.constant 1 : i32
    scf.for %scan3A_40 = %scan3A to %scan3A_2 step %scan3A_3  : i32 {
      %mul3A_41 = arith.constant 1 : i32
      %mul3A_42 = arith.muli %scan3A_40, %mul3A_41 : i32
      %add3A_43 = arith.constant 0 : i32
      %add3A_44 = arith.addi %add3A_43, %mul3A_42 : i32
      %scan3A_45 = arith.constant 0 : i32
      %scan3A_46 = arith.constant 8 : i32
      %scan3A_47 = arith.addi %scan3A_45, %scan3A_46 : i32
      %scan3A_48 = arith.constant 1 : i32
      scf.for %scan3A_50 = %scan3A_45 to %scan3A_47 step %scan3A_48  : i32 {
        %mul3A_51 = arith.constant 1 : i32
        %mul3A_52 = arith.muli %scan3A_50, %mul3A_51 : i32
        %add3A_53 = arith.constant 0 : i32
        %add3A_54 = arith.addi %add3A_53, %mul3A_52 : i32
        %broadcast_in_dim3A = arith.constant 0.000000e+00 : f32
        %broadcast_in_dim3A_55 = vector.broadcast %broadcast_in_dim3A : f32 to vector<16xf32>
        %mul3A_56 = arith.constant 16 : i32
        %mul3A_57 = arith.muli %add3A_54, %mul3A_56 : i32
        %swap3A = arith.index_cast %add3A_44 : i32 to index
        %swap3A_58 = arith.index_cast %mul3A_57 : i32 to index
        %swap3A_59 = tpu.vector_load %arg8[%swap3A, %swap3A_58] {strides = array<i32>} : memref<128x128xf32, #tpu.memory_space<vmem>>, vector<1x16xf32>,
        %swap3A_60 = vector.shape_cast %swap3A_59 : vector<1x16xf32> to vector<16xf32>
        %swap3A_61 = vector.shape_cast %broadcast_in_dim3A_55 : vector<16xf32> to vector<1x16xf32>
        tpu.vector_store %arg8[%swap3A, %swap3A_58], %swap3A_61 {strides = array<i32>} : memref<128x128xf32, #tpu.memory_space<vmem>>, vector<1x16xf32>,
      }
      %scan3A_49 = arith.constant 8 : i32
    }
    %scan3A_4 = arith.constant 128 : i32
    %add3A = arith.constant 0 : i32
    %add3A_5 = arith.addi %mul3A_0, %add3A : i32
    "tpu.region"() ({
      %run_scoped3A = tpu.sem_alloc : memref<!tpu.dma_semaphore, #tpu.memory_space<semaphore_mem>>
      %dma_start3A_40 = arith.constant 0 : i32
      %dma_start3A_41 = arith.constant 0 : i32
      %dma_start3A_42 = tpu.memref_slice %arg8[%dma_start3A_40, %dma_start3A_41] : memref<128x128xf32, #tpu.memory_space<vmem>> -> memref<128x128xf32, #tpu.memory_space<vmem>>
      %dma_start3A_43 = arith.constant 0 : i32
      %dma_start3A_44 = tpu.memref_slice %arg10[%add3A_5, %dma_start3A_43] : memref<10112x128xf32, #tpu.memory_space<vmem_shared>> -> memref<128x128xf32, #tpu.memory_space<vmem_shared>>
      %dma_start3A_45 = arith.constant 0 : i32
      %dma_start3A_46 = tpu.memref_slice %arg10[%add3A_5, %dma_start3A_45] : memref<10112x128xf32, #tpu.memory_space<vmem_shared>> -> memref<128x128xf32, #tpu.memory_space<vmem_shared>>
      %dma_start3A_47 = arith.constant 0 : i32
      %dma_start3A_48 = arith.constant 0 : i32
      %dma_start3A_49 = tpu.memref_slice %arg8[%dma_start3A_47, %dma_start3A_48] : memref<128x128xf32, #tpu.memory_space<vmem>> -> memref<128x128xf32, #tpu.memory_space<vmem>>
      tpu.enqueue_dma source(%dma_start3A_49 : memref<128x128xf32, #tpu.memory_space<vmem>>) target(%dma_start3A_46 : memref<128x128xf32, #tpu.memory_space<vmem_shared>>) target_semaphore(%run_scoped3A : memref<!tpu.dma_semaphore, #tpu.memory_space<semaphore_mem>>)
      %dma_wait3A = arith.constant 0 : i32
      %dma_wait3A_50 = arith.constant 0 : i32
      %dma_wait3A_51 = tpu.memref_slice %arg8[%dma_wait3A, %dma_wait3A_50] : memref<128x128xf32, #tpu.memory_space<vmem>> -> memref<128x128xf32, #tpu.memory_space<vmem>>
      %dma_wait3A_52 = arith.constant 0 : i32
      %dma_wait3A_53 = tpu.memref_slice %arg10[%add3A_5, %dma_wait3A_52] : memref<10112x128xf32, #tpu.memory_space<vmem_shared>> -> memref<128x128xf32, #tpu.memory_space<vmem_shared>>
      %dma_wait3A_54 = arith.constant 0 : i32
      %dma_wait3A_55 = tpu.memref_slice %arg10[%add3A_5, %dma_wait3A_54] : memref<10112x128xf32, #tpu.memory_space<vmem_shared>> -> memref<128x128xf32, #tpu.memory_space<vmem_shared>>
      %dma_wait3A_56 = arith.constant 0 : i32
      %dma_wait3A_57 = arith.constant 0 : i32
      %dma_wait3A_58 = tpu.memref_slice %arg8[%dma_wait3A_56, %dma_wait3A_57] : memref<128x128xf32, #tpu.memory_space<vmem>> -> memref<128x128xf32, #tpu.memory_space<vmem>>
      tpu.wait_dma2 semaphore(%run_scoped3A : memref<!tpu.dma_semaphore, #tpu.memory_space<semaphore_mem>>) src(%dma_wait3A_58 : memref<128x128xf32, #tpu.memory_space<vmem>>) dst(%dma_wait3A_55 : memref<128x128xf32, #tpu.memory_space<vmem_shared>>)
      tpu.yield
    }) : () -> ()
    %add3A_6 = arith.constant 128 : i32
    %add3A_7 = arith.addi %mul3A_0, %add3A_6 : i32
    "tpu.region"() ({
      %run_scoped3A = tpu.sem_alloc : memref<!tpu.dma_semaphore, #tpu.memory_space<semaphore_mem>>
      %dma_start3A_40 = arith.constant 0 : i32
      %dma_start3A_41 = arith.constant 0 : i32
      %dma_start3A_42 = tpu.memref_slice %arg8[%dma_start3A_40, %dma_start3A_41] : memref<128x128xf32, #tpu.memory_space<vmem>> -> memref<128x128xf32, #tpu.memory_space<vmem>>
      %dma_start3A_43 = arith.constant 0 : i32
      %dma_start3A_44 = tpu.memref_slice %arg10[%add3A_7, %dma_start3A_43] : memref<10112x128xf32, #tpu.memory_space<vmem_shared>> -> memref<128x128xf32, #tpu.memory_space<vmem_shared>>
      %dma_start3A_45 = arith.constant 0 : i32
      %dma_start3A_46 = tpu.memref_slice %arg10[%add3A_7, %dma_start3A_45] : memref<10112x128xf32, #tpu.memory_space<vmem_shared>> -> memref<128x128xf32, #tpu.memory_space<vmem_shared>>
      %dma_start3A_47 = arith.constant 0 : i32
      %dma_start3A_48 = arith.constant 0 : i32
      %dma_start3A_49 = tpu.memref_slice %arg8[%dma_start3A_47, %dma_start3A_48] : memref<128x128xf32, #tpu.memory_space<vmem>> -> memref<128x128xf32, #tpu.memory_space<vmem>>
      tpu.enqueue_dma source(%dma_start3A_49 : memref<128x128xf32, #tpu.memory_space<vmem>>) target(%dma_start3A_46 : memref<128x128xf32, #tpu.memory_space<vmem_shared>>) target_semaphore(%run_scoped3A : memref<!tpu.dma_semaphore, #tpu.memory_space<semaphore_mem>>)
      %dma_wait3A = arith.constant 0 : i32
      %dma_wait3A_50 = arith.constant 0 : i32
      %dma_wait3A_51 = tpu.memref_slice %arg8[%dma_wait3A, %dma_wait3A_50] : memref<128x128xf32, #tpu.memory_space<vmem>> -> memref<128x128xf32, #tpu.memory_space<vmem>>
      %dma_wait3A_52 = arith.constant 0 : i32
      %dma_wait3A_53 = tpu.memref_slice %arg10[%add3A_7, %dma_wait3A_52] : memref<10112x128xf32, #tpu.memory_space<vmem_shared>> -> memref<128x128xf32, #tpu.memory_space<vmem_shared>>
      %dma_wait3A_54 = arith.constant 0 : i32
      %dma_wait3A_55 = tpu.memref_slice %arg10[%add3A_7, %dma_wait3A_54] : memref<10112x128xf32, #tpu.memory_space<vmem_shared>> -> memref<128x128xf32, #tpu.memory_space<vmem_shared>>
      %dma_wait3A_56 = arith.constant 0 : i32
      %dma_wait3A_57 = arith.constant 0 : i32
      %dma_wait3A_58 = tpu.memref_slice %arg8[%dma_wait3A_56, %dma_wait3A_57] : memref<128x128xf32, #tpu.memory_space<vmem>> -> memref<128x128xf32, #tpu.memory_space<vmem>>
      tpu.wait_dma2 semaphore(%run_scoped3A : memref<!tpu.dma_semaphore, #tpu.memory_space<semaphore_mem>>) src(%dma_wait3A_58 : memref<128x128xf32, #tpu.memory_space<vmem>>) dst(%dma_wait3A_55 : memref<128x128xf32, #tpu.memory_space<vmem_shared>>)
      tpu.yield
    }) : () -> ()
    %add3A_8 = arith.constant 256 : i32
    %add3A_9 = arith.addi %mul3A_0, %add3A_8 : i32
    "tpu.region"() ({
      %run_scoped3A = tpu.sem_alloc : memref<!tpu.dma_semaphore, #tpu.memory_space<semaphore_mem>>
      %dma_start3A_40 = arith.constant 0 : i32
      %dma_start3A_41 = arith.constant 0 : i32
      %dma_start3A_42 = tpu.memref_slice %arg8[%dma_start3A_40, %dma_start3A_41] : memref<128x128xf32, #tpu.memory_space<vmem>> -> memref<128x128xf32, #tpu.memory_space<vmem>>
      %dma_start3A_43 = arith.constant 0 : i32
      %dma_start3A_44 = tpu.memref_slice %arg10[%add3A_9, %dma_start3A_43] : memref<10112x128xf32, #tpu.memory_space<vmem_shared>> -> memref<128x128xf32, #tpu.memory_space<vmem_shared>>
      %dma_start3A_45 = arith.constant 0 : i32
      %dma_start3A_46 = tpu.memref_slice %arg10[%add3A_9, %dma_start3A_45] : memref<10112x128xf32, #tpu.memory_space<vmem_shared>> -> memref<128x128xf32, #tpu.memory_space<vmem_shared>>
      %dma_start3A_47 = arith.constant 0 : i32
      %dma_start3A_48 = arith.constant 0 : i32
      %dma_start3A_49 = tpu.memref_slice %arg8[%dma_start3A_47, %dma_start3A_48] : memref<128x128xf32, #tpu.memory_space<vmem>> -> memref<128x128xf32, #tpu.memory_space<vmem>>
      tpu.enqueue_dma source(%dma_start3A_49 : memref<128x128xf32, #tpu.memory_space<vmem>>) target(%dma_start3A_46 : memref<128x128xf32, #tpu.memory_space<vmem_shared>>) target_semaphore(%run_scoped3A : memref<!tpu.dma_semaphore, #tpu.memory_space<semaphore_mem>>)
      %dma_wait3A = arith.constant 0 : i32
      %dma_wait3A_50 = arith.constant 0 : i32
      %dma_wait3A_51 = tpu.memref_slice %arg8[%dma_wait3A, %dma_wait3A_50] : memref<128x128xf32, #tpu.memory_space<vmem>> -> memref<128x128xf32, #tpu.memory_space<vmem>>
      %dma_wait3A_52 = arith.constant 0 : i32
      %dma_wait3A_53 = tpu.memref_slice %arg10[%add3A_9, %dma_wait3A_52] : memref<10112x128xf32, #tpu.memory_space<vmem_shared>> -> memref<128x128xf32, #tpu.memory_space<vmem_shared>>
      %dma_wait3A_54 = arith.constant 0 : i32
      %dma_wait3A_55 = tpu.memref_slice %arg10[%add3A_9, %dma_wait3A_54] : memref<10112x128xf32, #tpu.memory_space<vmem_shared>> -> memref<128x128xf32, #tpu.memory_space<vmem_shared>>
      %dma_wait3A_56 = arith.constant 0 : i32
      %dma_wait3A_57 = arith.constant 0 : i32
      %dma_wait3A_58 = tpu.memref_slice %arg8[%dma_wait3A_56, %dma_wait3A_57] : memref<128x128xf32, #tpu.memory_space<vmem>> -> memref<128x128xf32, #tpu.memory_space<vmem>>
      tpu.wait_dma2 semaphore(%run_scoped3A : memref<!tpu.dma_semaphore, #tpu.memory_space<semaphore_mem>>) src(%dma_wait3A_58 : memref<128x128xf32, #tpu.memory_space<vmem>>) dst(%dma_wait3A_55 : memref<128x128xf32, #tpu.memory_space<vmem_shared>>)
      tpu.yield
    }) : () -> ()
    %add3A_10 = arith.constant 384 : i32
    %add3A_11 = arith.addi %mul3A_0, %add3A_10 : i32
    "tpu.region"() ({
      %run_scoped3A = tpu.sem_alloc : memref<!tpu.dma_semaphore, #tpu.memory_space<semaphore_mem>>
      %dma_start3A_40 = arith.constant 0 : i32
      %dma_start3A_41 = arith.constant 0 : i32
      %dma_start3A_42 = tpu.memref_slice %arg8[%dma_start3A_40, %dma_start3A_41] : memref<128x128xf32, #tpu.memory_space<vmem>> -> memref<128x128xf32, #tpu.memory_space<vmem>>
      %dma_start3A_43 = arith.constant 0 : i32
      %dma_start3A_44 = tpu.memref_slice %arg10[%add3A_11, %dma_start3A_43] : memref<10112x128xf32, #tpu.memory_space<vmem_shared>> -> memref<128x128xf32, #tpu.memory_space<vmem_shared>>
      %dma_start3A_45 = arith.constant 0 : i32
      %dma_start3A_46 = tpu.memref_slice %arg10[%add3A_11, %dma_start3A_45] : memref<10112x128xf32, #tpu.memory_space<vmem_shared>> -> memref<128x128xf32, #tpu.memory_space<vmem_shared>>
      %dma_start3A_47 = arith.constant 0 : i32
      %dma_start3A_48 = arith.constant 0 : i32
      %dma_start3A_49 = tpu.memref_slice %arg8[%dma_start3A_47, %dma_start3A_48] : memref<128x128xf32, #tpu.memory_space<vmem>> -> memref<128x128xf32, #tpu.memory_space<vmem>>
      tpu.enqueue_dma source(%dma_start3A_49 : memref<128x128xf32, #tpu.memory_space<vmem>>) target(%dma_start3A_46 : memref<128x128xf32, #tpu.memory_space<vmem_shared>>) target_semaphore(%run_scoped3A : memref<!tpu.dma_semaphore, #tpu.memory_space<semaphore_mem>>)
      %dma_wait3A = arith.constant 0 : i32
      %dma_wait3A_50 = arith.constant 0 : i32
      %dma_wait3A_51 = tpu.memref_slice %arg8[%dma_wait3A, %dma_wait3A_50] : memref<128x128xf32, #tpu.memory_space<vmem>> -> memref<128x128xf32, #tpu.memory_space<vmem>>
      %dma_wait3A_52 = arith.constant 0 : i32
      %dma_wait3A_53 = tpu.memref_slice %arg10[%add3A_11, %dma_wait3A_52] : memref<10112x128xf32, #tpu.memory_space<vmem_shared>> -> memref<128x128xf32, #tpu.memory_space<vmem_shared>>
      %dma_wait3A_54 = arith.constant 0 : i32
      %dma_wait3A_55 = tpu.memref_slice %arg10[%add3A_11, %dma_wait3A_54] : memref<10112x128xf32, #tpu.memory_space<vmem_shared>> -> memref<128x128xf32, #tpu.memory_space<vmem_shared>>
      %dma_wait3A_56 = arith.constant 0 : i32
      %dma_wait3A_57 = arith.constant 0 : i32
      %dma_wait3A_58 = tpu.memref_slice %arg8[%dma_wait3A_56, %dma_wait3A_57] : memref<128x128xf32, #tpu.memory_space<vmem>> -> memref<128x128xf32, #tpu.memory_space<vmem>>
      tpu.wait_dma2 semaphore(%run_scoped3A : memref<!tpu.dma_semaphore, #tpu.memory_space<semaphore_mem>>) src(%dma_wait3A_58 : memref<128x128xf32, #tpu.memory_space<vmem>>) dst(%dma_wait3A_55 : memref<128x128xf32, #tpu.memory_space<vmem_shared>>)
      tpu.yield
    }) : () -> ()
    %add3A_12 = arith.constant 512 : i32
    %add3A_13 = arith.addi %mul3A_0, %add3A_12 : i32
    "tpu.region"() ({
      %run_scoped3A = tpu.sem_alloc : memref<!tpu.dma_semaphore, #tpu.memory_space<semaphore_mem>>
      %dma_start3A_40 = arith.constant 0 : i32
      %dma_start3A_41 = arith.constant 0 : i32
      %dma_start3A_42 = tpu.memref_slice %arg8[%dma_start3A_40, %dma_start3A_41] : memref<128x128xf32, #tpu.memory_space<vmem>> -> memref<120x128xf32, #tpu.memory_space<vmem>>
      %dma_start3A_43 = arith.constant 0 : i32
      %dma_start3A_44 = tpu.memref_slice %arg10[%add3A_13, %dma_start3A_43] : memref<10112x128xf32, #tpu.memory_space<vmem_shared>> -> memref<120x128xf32, #tpu.memory_space<vmem_shared>>
      %dma_start3A_45 = arith.constant 0 : i32
      %dma_start3A_46 = tpu.memref_slice %arg10[%add3A_13, %dma_start3A_45] : memref<10112x128xf32, #tpu.memory_space<vmem_shared>> -> memref<120x128xf32, #tpu.memory_space<vmem_shared>>
      %dma_start3A_47 = arith.constant 0 : i32
      %dma_start3A_48 = arith.constant 0 : i32
      %dma_start3A_49 = tpu.memref_slice %arg8[%dma_start3A_47, %dma_start3A_48] : memref<128x128xf32, #tpu.memory_space<vmem>> -> memref<120x128xf32, #tpu.memory_space<vmem>>
      tpu.enqueue_dma source(%dma_start3A_49 : memref<120x128xf32, #tpu.memory_space<vmem>>) target(%dma_start3A_46 : memref<120x128xf32, #tpu.memory_space<vmem_shared>>) target_semaphore(%run_scoped3A : memref<!tpu.dma_semaphore, #tpu.memory_space<semaphore_mem>>)
      %dma_wait3A = arith.constant 0 : i32
      %dma_wait3A_50 = arith.constant 0 : i32
      %dma_wait3A_51 = tpu.memref_slice %arg8[%dma_wait3A, %dma_wait3A_50] : memref<128x128xf32, #tpu.memory_space<vmem>> -> memref<120x128xf32, #tpu.memory_space<vmem>>
      %dma_wait3A_52 = arith.constant 0 : i32
      %dma_wait3A_53 = tpu.memref_slice %arg10[%add3A_13, %dma_wait3A_52] : memref<10112x128xf32, #tpu.memory_space<vmem_shared>> -> memref<120x128xf32, #tpu.memory_space<vmem_shared>>
      %dma_wait3A_54 = arith.constant 0 : i32
      %dma_wait3A_55 = tpu.memref_slice %arg10[%add3A_13, %dma_wait3A_54] : memref<10112x128xf32, #tpu.memory_space<vmem_shared>> -> memref<120x128xf32, #tpu.memory_space<vmem_shared>>
      %dma_wait3A_56 = arith.constant 0 : i32
      %dma_wait3A_57 = arith.constant 0 : i32
      %dma_wait3A_58 = tpu.memref_slice %arg8[%dma_wait3A_56, %dma_wait3A_57] : memref<128x128xf32, #tpu.memory_space<vmem>> -> memref<120x128xf32, #tpu.memory_space<vmem>>
      tpu.wait_dma2 semaphore(%run_scoped3A : memref<!tpu.dma_semaphore, #tpu.memory_space<semaphore_mem>>) src(%dma_wait3A_58 : memref<120x128xf32, #tpu.memory_space<vmem>>) dst(%dma_wait3A_55 : memref<120x128xf32, #tpu.memory_space<vmem_shared>>)
      tpu.yield
    }) : () -> ()
    %barrier3A = arith.constant 0 : index
    tpu.barrier barrier_id(%barrier3A)
    %mul3A_14 = arith.constant 16 : i32
    %mul3A_15 = arith.muli %arg0, %mul3A_14 : i32
    %add3A_16 = arith.addi %mul3A_15, %arg1 : i32
    %mul3A_17 = arith.constant 40 : i32
    %mul3A_18 = arith.muli %add3A_16, %mul3A_17 : i32
    %add3A_19 = arith.constant 0 : i32
    %add3A_20 = arith.addi %mul3A_18, %add3A_19 : i32
    "tpu.region"() ({
      %run_scoped3A = tpu.sem_alloc : memref<!tpu.dma_semaphore, #tpu.memory_space<semaphore_mem>>
      %dma_start3A_40 = arith.constant 0 : i32
      %dma_start3A_41 = tpu.memref_slice %arg3[%add3A_20, %dma_start3A_40] : memref<1280x128xi32, #tpu.memory_space<hbm>> -> memref<40x128xi32, #tpu.memory_space<hbm>>
      %dma_start3A_42 = arith.constant 0 : i32
      %dma_start3A_43 = tpu.memref_slice %arg3[%add3A_20, %dma_start3A_42] : memref<1280x128xi32, #tpu.memory_space<hbm>> -> memref<40x128xi32, #tpu.memory_space<hbm>>
      tpu.enqueue_dma source(%dma_start3A_43 : memref<40x128xi32, #tpu.memory_space<hbm>>) target(%arg6 : memref<40x128xi32, #tpu.memory_space<vmem>>) target_semaphore(%run_scoped3A : memref<!tpu.dma_semaphore, #tpu.memory_space<semaphore_mem>>)
      %dma_wait3A = arith.constant 0 : i32
      %dma_wait3A_44 = tpu.memref_slice %arg3[%add3A_20, %dma_wait3A] : memref<1280x128xi32, #tpu.memory_space<hbm>> -> memref<40x128xi32, #tpu.memory_space<hbm>>
      %dma_wait3A_45 = arith.constant 0 : i32
      %dma_wait3A_46 = tpu.memref_slice %arg3[%add3A_20, %dma_wait3A_45] : memref<1280x128xi32, #tpu.memory_space<hbm>> -> memref<40x128xi32, #tpu.memory_space<hbm>>
      tpu.wait_dma2 semaphore(%run_scoped3A : memref<!tpu.dma_semaphore, #tpu.memory_space<semaphore_mem>>) src(%dma_wait3A_46 : memref<40x128xi32, #tpu.memory_space<hbm>>) dst(%arg6 : memref<40x128xi32, #tpu.memory_space<vmem>>)
      tpu.yield
    }) : () -> ()
    "tpu.region"() ({
      %run_scoped3A = tpu.sem_alloc : memref<!tpu.dma_semaphore, #tpu.memory_space<semaphore_mem>>
      %dma_start3A_40 = arith.constant 0 : i32
      %dma_start3A_41 = tpu.memref_slice %arg4[%add3A_20, %dma_start3A_40] : memref<1280x128xi32, #tpu.memory_space<hbm>> -> memref<40x128xi32, #tpu.memory_space<hbm>>
      %dma_start3A_42 = arith.constant 0 : i32
      %dma_start3A_43 = tpu.memref_slice %arg4[%add3A_20, %dma_start3A_42] : memref<1280x128xi32, #tpu.memory_space<hbm>> -> memref<40x128xi32, #tpu.memory_space<hbm>>
      tpu.enqueue_dma source(%dma_start3A_43 : memref<40x128xi32, #tpu.memory_space<hbm>>) target(%arg7 : memref<40x128xi32, #tpu.memory_space<vmem>>) target_semaphore(%run_scoped3A : memref<!tpu.dma_semaphore, #tpu.memory_space<semaphore_mem>>)
      %dma_wait3A = arith.constant 0 : i32
      %dma_wait3A_44 = tpu.memref_slice %arg4[%add3A_20, %dma_wait3A] : memref<1280x128xi32, #tpu.memory_space<hbm>> -> memref<40x128xi32, #tpu.memory_space<hbm>>
      %dma_wait3A_45 = arith.constant 0 : i32
      %dma_wait3A_46 = tpu.memref_slice %arg4[%add3A_20, %dma_wait3A_45] : memref<1280x128xi32, #tpu.memory_space<hbm>> -> memref<40x128xi32, #tpu.memory_space<hbm>>
      tpu.wait_dma2 semaphore(%run_scoped3A : memref<!tpu.dma_semaphore, #tpu.memory_space<semaphore_mem>>) src(%dma_wait3A_46 : memref<40x128xi32, #tpu.memory_space<hbm>>) dst(%arg7 : memref<40x128xi32, #tpu.memory_space<vmem>>)
      tpu.yield
    }) : () -> ()
    %dma_start3A = arith.constant 0 : i32
    %dma_start3A_21 = arith.constant 0 : i32
    %dma_start3A_22 = tpu.memref_slice %arg6[%dma_start3A, %dma_start3A_21] : memref<40x128xi32, #tpu.memory_space<vmem>> -> memref<1x128xi32, #tpu.memory_space<vmem>>
    %dma_start3A_23 = tpu.memref_squeeze %dma_start3A_22 : memref<1x128xi32, #tpu.memory_space<vmem>> -> memref<128xi32, #tpu.memory_space<vmem>>
    %dma_start3A_24 = arith.constant 0 : i32
    %dma_start3A_25 = arith.constant 0 : i32
    %dma_start3A_26 = tpu.memref_slice %arg2[%dma_start3A_24, %dma_start3A_25] : memref<10112x128xf32, #tpu.memory_space<hbm>> -> memref<10112x128xf32, #tpu.memory_space<hbm>>
    tpu.enqueue_indirect_dma source(%dma_start3A_26 : memref<10112x128xf32, #tpu.memory_space<hbm>>) target(%arg8 : memref<128x128xf32, #tpu.memory_space<vmem>>) offsets(%dma_start3A_23 : memref<128xi32, #tpu.memory_space<vmem>>) semaphore(%arg11 : memref<!tpu.dma_semaphore, #tpu.memory_space<semaphore_mem>>)
    %dma_start3A_27 = arith.constant 1 : i32
    %dma_start3A_28 = arith.constant 0 : i32
    %dma_start3A_29 = tpu.memref_slice %arg6[%dma_start3A_27, %dma_start3A_28] : memref<40x128xi32, #tpu.memory_space<vmem>> -> memref<1x128xi32, #tpu.memory_space<vmem>>
    %dma_start3A_30 = tpu.memref_squeeze %dma_start3A_29 : memref<1x128xi32, #tpu.memory_space<vmem>> -> memref<128xi32, #tpu.memory_space<vmem>>
    %dma_start3A_31 = arith.constant 0 : i32
    %dma_start3A_32 = arith.constant 0 : i32
    %dma_start3A_33 = tpu.memref_slice %arg2[%dma_start3A_31, %dma_start3A_32] : memref<10112x128xf32, #tpu.memory_space<hbm>> -> memref<10112x128xf32, #tpu.memory_space<hbm>>
    tpu.enqueue_indirect_dma source(%dma_start3A_33 : memref<10112x128xf32, #tpu.memory_space<hbm>>) target(%arg9 : memref<128x128xf32, #tpu.memory_space<vmem>>) offsets(%dma_start3A_30 : memref<128xi32, #tpu.memory_space<vmem>>) semaphore(%arg12 : memref<!tpu.dma_semaphore, #tpu.memory_space<semaphore_mem>>)
    %scan3A_34 = arith.constant 0 : i32
    %scan3A_35 = arith.constant 20 : i32
    %scan3A_36 = arith.addi %scan3A_34, %scan3A_35 : i32
    %scan3A_37 = arith.constant 1 : i32
    scf.for %scan3A_40 = %scan3A_34 to %scan3A_36 step %scan3A_37  : i32 {
      %mul3A_41 = arith.constant 1 : i32
      %mul3A_42 = arith.muli %scan3A_40, %mul3A_41 : i32
      %add3A_43 = arith.constant 0 : i32
      %add3A_44 = arith.addi %add3A_43, %mul3A_42 : i32
      %mul3A_45 = arith.constant 2 : i32
      %mul3A_46 = arith.muli %mul3A_45, %add3A_44 : i32
      %dma_wait3A = arith.constant 0 : i32
      %dma_wait3A_47 = tpu.memref_slice %arg6[%mul3A_46, %dma_wait3A] : memref<40x128xi32, #tpu.memory_space<vmem>> -> memref<1x128xi32, #tpu.memory_space<vmem>>
      %dma_wait3A_48 = tpu.memref_squeeze %dma_wait3A_47 : memref<1x128xi32, #tpu.memory_space<vmem>> -> memref<128xi32, #tpu.memory_space<vmem>>
      %dma_wait3A_49 = arith.constant 0 : i32
      %dma_wait3A_50 = arith.constant 0 : i32
      %dma_wait3A_51 = tpu.memref_slice %arg2[%dma_wait3A_49, %dma_wait3A_50] : memref<10112x128xf32, #tpu.memory_space<hbm>> -> memref<10112x128xf32, #tpu.memory_space<hbm>>
      tpu.wait_indirect_dma semaphore(%arg11 : memref<!tpu.dma_semaphore, #tpu.memory_space<semaphore_mem>>) src(%dma_wait3A_51 : memref<10112x128xf32, #tpu.memory_space<hbm>>) dst(%arg8 : memref<128x128xf32, #tpu.memory_space<vmem>>)
      "tpu.region"() ({
        %run_scoped3A = tpu.sem_alloc : memref<!tpu.dma_semaphore, #tpu.memory_space<semaphore_mem>>
        %dma_start3A_69 = arith.constant 0 : i32
        %dma_start3A_70 = tpu.memref_slice %arg7[%mul3A_46, %dma_start3A_69] : memref<40x128xi32, #tpu.memory_space<vmem>> -> memref<1x128xi32, #tpu.memory_space<vmem>>
        %dma_start3A_71 = tpu.memref_squeeze %dma_start3A_70 : memref<1x128xi32, #tpu.memory_space<vmem>> -> memref<128xi32, #tpu.memory_space<vmem>>
        %dma_start3A_72 = arith.constant 0 : i32
        %dma_start3A_73 = arith.constant 0 : i32
        %dma_start3A_74 = tpu.memref_slice %arg10[%dma_start3A_72, %dma_start3A_73] : memref<10112x128xf32, #tpu.memory_space<vmem_shared>> -> memref<10112x128xf32, #tpu.memory_space<vmem_shared>>
        tpu.enqueue_indirect_dma source(%arg8 : memref<128x128xf32, #tpu.memory_space<vmem>>) target(%dma_start3A_74 : memref<10112x128xf32, #tpu.memory_space<vmem_shared>>) offsets(%dma_start3A_71 : memref<128xi32, #tpu.memory_space<vmem>>) semaphore(%run_scoped3A : memref<!tpu.dma_semaphore, #tpu.memory_space<semaphore_mem>>) {add = true}
        %dma_wait3A_75 = arith.constant 0 : i32
        %dma_wait3A_76 = tpu.memref_slice %arg7[%mul3A_46, %dma_wait3A_75] : memref<40x128xi32, #tpu.memory_space<vmem>> -> memref<1x128xi32, #tpu.memory_space<vmem>>
        %dma_wait3A_77 = tpu.memref_squeeze %dma_wait3A_76 : memref<1x128xi32, #tpu.memory_space<vmem>> -> memref<128xi32, #tpu.memory_space<vmem>>
        %dma_wait3A_78 = arith.constant 0 : i32
        %dma_wait3A_79 = arith.constant 0 : i32
        %dma_wait3A_80 = tpu.memref_slice %arg10[%dma_wait3A_78, %dma_wait3A_79] : memref<10112x128xf32, #tpu.memory_space<vmem_shared>> -> memref<10112x128xf32, #tpu.memory_space<vmem_shared>>
        tpu.wait_indirect_dma semaphore(%run_scoped3A : memref<!tpu.dma_semaphore, #tpu.memory_space<semaphore_mem>>) src(%arg8 : memref<128x128xf32, #tpu.memory_space<vmem>>) dst(%dma_wait3A_80 : memref<10112x128xf32, #tpu.memory_space<vmem_shared>>)
        tpu.yield
      }) : () -> ()
      %lt3A = arith.constant 19 : i32
      %lt3A_52 = arith.cmpi slt, %add3A_44, %lt3A : i32
      %convert_element_type3A = arith.extui %lt3A_52 : i1 to i32
      %cond3A = arith.constant 0 : i32
      %cond3A_53 = arith.cmpi ne, %convert_element_type3A, %cond3A : i32
      scf.if %cond3A_53 {
        %add3A_69 = arith.constant 2 : i32
        %add3A_70 = arith.addi %mul3A_46, %add3A_69 : i32
        %dma_start3A_71 = arith.constant 0 : i32
        %dma_start3A_72 = tpu.memref_slice %arg6[%add3A_70, %dma_start3A_71] : memref<40x128xi32, #tpu.memory_space<vmem>> -> memref<1x128xi32, #tpu.memory_space<vmem>>
        %dma_start3A_73 = tpu.memref_squeeze %dma_start3A_72 : memref<1x128xi32, #tpu.memory_space<vmem>> -> memref<128xi32, #tpu.memory_space<vmem>>
        %dma_start3A_74 = arith.constant 0 : i32
        %dma_start3A_75 = arith.constant 0 : i32
        %dma_start3A_76 = tpu.memref_slice %arg2[%dma_start3A_74, %dma_start3A_75] : memref<10112x128xf32, #tpu.memory_space<hbm>> -> memref<10112x128xf32, #tpu.memory_space<hbm>>
        tpu.enqueue_indirect_dma source(%dma_start3A_76 : memref<10112x128xf32, #tpu.memory_space<hbm>>) target(%arg8 : memref<128x128xf32, #tpu.memory_space<vmem>>) offsets(%dma_start3A_73 : memref<128xi32, #tpu.memory_space<vmem>>) semaphore(%arg11 : memref<!tpu.dma_semaphore, #tpu.memory_space<semaphore_mem>>)
      } else {
      }
      %add3A_54 = arith.constant 1 : i32
      %add3A_55 = arith.addi %mul3A_46, %add3A_54 : i32
      %dma_wait3A_56 = arith.constant 0 : i32
      %dma_wait3A_57 = tpu.memref_slice %arg6[%add3A_55, %dma_wait3A_56] : memref<40x128xi32, #tpu.memory_space<vmem>> -> memref<1x128xi32, #tpu.memory_space<vmem>>
      %dma_wait3A_58 = tpu.memref_squeeze %dma_wait3A_57 : memref<1x128xi32, #tpu.memory_space<vmem>> -> memref<128xi32, #tpu.memory_space<vmem>>
      %dma_wait3A_59 = arith.constant 0 : i32
      %dma_wait3A_60 = arith.constant 0 : i32
      %dma_wait3A_61 = tpu.memref_slice %arg2[%dma_wait3A_59, %dma_wait3A_60] : memref<10112x128xf32, #tpu.memory_space<hbm>> -> memref<10112x128xf32, #tpu.memory_space<hbm>>
      tpu.wait_indirect_dma semaphore(%arg12 : memref<!tpu.dma_semaphore, #tpu.memory_space<semaphore_mem>>) src(%dma_wait3A_61 : memref<10112x128xf32, #tpu.memory_space<hbm>>) dst(%arg9 : memref<128x128xf32, #tpu.memory_space<vmem>>)
      %add3A_62 = arith.constant 1 : i32
      %add3A_63 = arith.addi %mul3A_46, %add3A_62 : i32
      "tpu.region"() ({
        %run_scoped3A = tpu.sem_alloc : memref<!tpu.dma_semaphore, #tpu.memory_space<semaphore_mem>>
        %dma_start3A_69 = arith.constant 0 : i32
        %dma_start3A_70 = tpu.memref_slice %arg7[%add3A_63, %dma_start3A_69] : memref<40x128xi32, #tpu.memory_space<vmem>> -> memref<1x128xi32, #tpu.memory_space<vmem>>
        %dma_start3A_71 = tpu.memref_squeeze %dma_start3A_70 : memref<1x128xi32, #tpu.memory_space<vmem>> -> memref<128xi32, #tpu.memory_space<vmem>>
        %dma_start3A_72 = arith.constant 0 : i32
        %dma_start3A_73 = arith.constant 0 : i32
        %dma_start3A_74 = tpu.memref_slice %arg10[%dma_start3A_72, %dma_start3A_73] : memref<10112x128xf32, #tpu.memory_space<vmem_shared>> -> memref<10112x128xf32, #tpu.memory_space<vmem_shared>>
        tpu.enqueue_indirect_dma source(%arg9 : memref<128x128xf32, #tpu.memory_space<vmem>>) target(%dma_start3A_74 : memref<10112x128xf32, #tpu.memory_space<vmem_shared>>) offsets(%dma_start3A_71 : memref<128xi32, #tpu.memory_space<vmem>>) semaphore(%run_scoped3A : memref<!tpu.dma_semaphore, #tpu.memory_space<semaphore_mem>>) {add = true}
        %dma_wait3A_75 = arith.constant 0 : i32
        %dma_wait3A_76 = tpu.memref_slice %arg7[%add3A_63, %dma_wait3A_75] : memref<40x128xi32, #tpu.memory_space<vmem>> -> memref<1x128xi32, #tpu.memory_space<vmem>>
        %dma_wait3A_77 = tpu.memref_squeeze %dma_wait3A_76 : memref<1x128xi32, #tpu.memory_space<vmem>> -> memref<128xi32, #tpu.memory_space<vmem>>
        %dma_wait3A_78 = arith.constant 0 : i32
        %dma_wait3A_79 = arith.constant 0 : i32
        %dma_wait3A_80 = tpu.memref_slice %arg10[%dma_wait3A_78, %dma_wait3A_79] : memref<10112x128xf32, #tpu.memory_space<vmem_shared>> -> memref<10112x128xf32, #tpu.memory_space<vmem_shared>>
        tpu.wait_indirect_dma semaphore(%run_scoped3A : memref<!tpu.dma_semaphore, #tpu.memory_space<semaphore_mem>>) src(%arg9 : memref<128x128xf32, #tpu.memory_space<vmem>>) dst(%dma_wait3A_80 : memref<10112x128xf32, #tpu.memory_space<vmem_shared>>)
        tpu.yield
      }) : () -> ()
      %lt3A_64 = arith.constant 19 : i32
      %lt3A_65 = arith.cmpi slt, %add3A_44, %lt3A_64 : i32
      %convert_element_type3A_66 = arith.extui %lt3A_65 : i1 to i32
      %cond3A_67 = arith.constant 0 : i32
      %cond3A_68 = arith.cmpi ne, %convert_element_type3A_66, %cond3A_67 : i32
      scf.if %cond3A_68 {
        %add3A_69 = arith.constant 3 : i32
        %add3A_70 = arith.addi %mul3A_46, %add3A_69 : i32
        %dma_start3A_71 = arith.constant 0 : i32
        %dma_start3A_72 = tpu.memref_slice %arg6[%add3A_70, %dma_start3A_71] : memref<40x128xi32, #tpu.memory_space<vmem>> -> memref<1x128xi32, #tpu.memory_space<vmem>>
        %dma_start3A_73 = tpu.memref_squeeze %dma_start3A_72 : memref<1x128xi32, #tpu.memory_space<vmem>> -> memref<128xi32, #tpu.memory_space<vmem>>
        %dma_start3A_74 = arith.constant 0 : i32
        %dma_start3A_75 = arith.constant 0 : i32
        %dma_start3A_76 = tpu.memref_slice %arg2[%dma_start3A_74, %dma_start3A_75] : memref<10112x128xf32, #tpu.memory_space<hbm>> -> memref<10112x128xf32, #tpu.memory_space<hbm>>
        tpu.enqueue_indirect_dma source(%dma_start3A_76 : memref<10112x128xf32, #tpu.memory_space<hbm>>) target(%arg9 : memref<128x128xf32, #tpu.memory_space<vmem>>) offsets(%dma_start3A_73 : memref<128xi32, #tpu.memory_space<vmem>>) semaphore(%arg12 : memref<!tpu.dma_semaphore, #tpu.memory_space<semaphore_mem>>)
      } else {
      }
    }
    %scan3A_38 = arith.constant 20 : i32
    %barrier3A_39 = arith.constant 0 : index
    tpu.barrier barrier_id(%barrier3A_39)
    "tpu.region"() ({
      %run_scoped3A = tpu.sem_alloc : memref<!tpu.dma_semaphore, #tpu.memory_space<semaphore_mem>>
      %dma_start3A_40 = arith.constant 0 : i32
      %dma_start3A_41 = arith.constant 0 : i32
      %dma_start3A_42 = tpu.memref_slice %arg5[%arg0, %dma_start3A_40, %dma_start3A_41] : memref<2x10112x128xf32, #tpu.memory_space<hbm>> -> memref<1x10112x128xf32, #tpu.memory_space<hbm>>
      %dma_start3A_43 = tpu.memref_squeeze %dma_start3A_42 : memref<1x10112x128xf32, #tpu.memory_space<hbm>> -> memref<10112x128xf32, #tpu.memory_space<hbm>>
      %dma_start3A_44 = arith.constant 0 : i32
      %dma_start3A_45 = tpu.memref_slice %dma_start3A_43[%mul3A_0, %dma_start3A_44] : memref<10112x128xf32, #tpu.memory_space<hbm>> -> memref<632x128xf32, #tpu.memory_space<hbm>>
      %dma_start3A_46 = arith.constant 0 : i32
      %dma_start3A_47 = tpu.memref_slice %arg10[%mul3A_0, %dma_start3A_46] : memref<10112x128xf32, #tpu.memory_space<vmem_shared>> -> memref<632x128xf32, #tpu.memory_space<vmem_shared>>
      tpu.enqueue_dma source(%dma_start3A_47 : memref<632x128xf32, #tpu.memory_space<vmem_shared>>) target(%dma_start3A_45 : memref<632x128xf32, #tpu.memory_space<hbm>>) target_semaphore(%run_scoped3A : memref<!tpu.dma_semaphore, #tpu.memory_space<semaphore_mem>>)
      %dma_wait3A = arith.constant 0 : i32
      %dma_wait3A_48 = arith.constant 0 : i32
      %dma_wait3A_49 = tpu.memref_slice %arg5[%arg0, %dma_wait3A, %dma_wait3A_48] : memref<2x10112x128xf32, #tpu.memory_space<hbm>> -> memref<1x10112x128xf32, #tpu.memory_space<hbm>>
      %dma_wait3A_50 = tpu.memref_squeeze %dma_wait3A_49 : memref<1x10112x128xf32, #tpu.memory_space<hbm>> -> memref<10112x128xf32, #tpu.memory_space<hbm>>
      %dma_wait3A_51 = arith.constant 0 : i32
      %dma_wait3A_52 = tpu.memref_slice %dma_wait3A_50[%mul3A_0, %dma_wait3A_51] : memref<10112x128xf32, #tpu.memory_space<hbm>> -> memref<632x128xf32, #tpu.memory_space<hbm>>
      %dma_wait3A_53 = arith.constant 0 : i32
      %dma_wait3A_54 = tpu.memref_slice %arg10[%mul3A_0, %dma_wait3A_53] : memref<10112x128xf32, #tpu.memory_space<vmem_shared>> -> memref<632x128xf32, #tpu.memory_space<vmem_shared>>
      tpu.wait_dma2 semaphore(%run_scoped3A : memref<!tpu.dma_semaphore, #tpu.memory_space<semaphore_mem>>) src(%dma_wait3A_54 : memref<632x128xf32, #tpu.memory_space<vmem_shared>>) dst(%dma_wait3A_52 : memref<632x128xf32, #tpu.memory_space<hbm>>)
      tpu.yield
    }) : () -> ()
    return
  }
}

#map = affine_map<(d0, d1) -> (0, 0)>
module attributes {stable_mosaic.version = 14 : i64} {
  func.func @k(%arg0: i32, %arg1: i32, %arg2: memref<1280x128xi32, #tpu.memory_space<hbm>>, %arg3: memref<32x10112xf32, #tpu.memory_space<hbm>>, %arg4: memref<40x128xi32, #tpu.memory_space<vmem>>, %arg5: memref<10112xf32, #tpu.memory_space<vmem>>) attributes {dimension_semantics = [#tpu.dimension_semantics<core_parallel>, #tpu.dimension_semantics<subcore_parallel>], iteration_bounds = array<i64: 2, 16>, scalar_prefetch = 0 : i64, scratch_operands = 2 : i64, tpu.core_type = #tpu.core_type<sc_vector_subcore>, window_params = [{transform_indices = #map}, {transform_indices = #map}]} {
    %mul3A = arith.constant 16 : i32
    %mul3A_0 = arith.muli %arg0, %mul3A : i32
    %add3A = arith.addi %mul3A_0, %arg1 : i32
    %scan3A = arith.constant 0 : i32
    %scan3A_1 = arith.constant 632 : i32
    %scan3A_2 = arith.addi %scan3A, %scan3A_1 : i32
    %scan3A_3 = arith.constant 1 : i32
    scf.for %scan3A_13 = %scan3A to %scan3A_2 step %scan3A_3  : i32 {
      %mul3A_14 = arith.constant 1 : i32
      %mul3A_15 = arith.muli %scan3A_13, %mul3A_14 : i32
      %add3A_16 = arith.constant 0 : i32
      %add3A_17 = arith.addi %add3A_16, %mul3A_15 : i32
      %broadcast_in_dim3A_18 = arith.constant 0.000000e+00 : f32
      %broadcast_in_dim3A_19 = vector.broadcast %broadcast_in_dim3A_18 : f32 to vector<16xf32>
      %mul3A_20 = arith.constant 16 : i32
      %mul3A_21 = arith.muli %add3A_17, %mul3A_20 : i32
      %swap3A = arith.index_cast %mul3A_21 : i32 to index
      %swap3A_22 = tpu.vector_load %arg5[%swap3A] {strides = array<i32>} : memref<10112xf32, #tpu.memory_space<vmem>>, vector<16xf32>,
      tpu.vector_store %arg5[%swap3A], %broadcast_in_dim3A_19 {strides = array<i32>} : memref<10112xf32, #tpu.memory_space<vmem>>, vector<16xf32>,
    }
    %scan3A_4 = arith.constant 632 : i32
    %mul3A_5 = arith.constant 40 : i32
    %mul3A_6 = arith.muli %add3A, %mul3A_5 : i32
    "tpu.region"() ({
      %run_scoped3A = tpu.sem_alloc : memref<!tpu.dma_semaphore, #tpu.memory_space<semaphore_mem>>
      %dma_start3A = arith.constant 0 : i32
      %dma_start3A_13 = tpu.memref_slice %arg2[%mul3A_6, %dma_start3A] : memref<1280x128xi32, #tpu.memory_space<hbm>> -> memref<40x128xi32, #tpu.memory_space<hbm>>
      %dma_start3A_14 = arith.constant 0 : i32
      %dma_start3A_15 = tpu.memref_slice %arg2[%mul3A_6, %dma_start3A_14] : memref<1280x128xi32, #tpu.memory_space<hbm>> -> memref<40x128xi32, #tpu.memory_space<hbm>>
      tpu.enqueue_dma source(%dma_start3A_15 : memref<40x128xi32, #tpu.memory_space<hbm>>) target(%arg4 : memref<40x128xi32, #tpu.memory_space<vmem>>) target_semaphore(%run_scoped3A : memref<!tpu.dma_semaphore, #tpu.memory_space<semaphore_mem>>)
      %dma_wait3A = arith.constant 0 : i32
      %dma_wait3A_16 = tpu.memref_slice %arg2[%mul3A_6, %dma_wait3A] : memref<1280x128xi32, #tpu.memory_space<hbm>> -> memref<40x128xi32, #tpu.memory_space<hbm>>
      %dma_wait3A_17 = arith.constant 0 : i32
      %dma_wait3A_18 = tpu.memref_slice %arg2[%mul3A_6, %dma_wait3A_17] : memref<1280x128xi32, #tpu.memory_space<hbm>> -> memref<40x128xi32, #tpu.memory_space<hbm>>
      tpu.wait_dma2 semaphore(%run_scoped3A : memref<!tpu.dma_semaphore, #tpu.memory_space<semaphore_mem>>) src(%dma_wait3A_18 : memref<40x128xi32, #tpu.memory_space<hbm>>) dst(%arg4 : memref<40x128xi32, #tpu.memory_space<vmem>>)
      tpu.yield
    }) : () -> ()
    %broadcast_in_dim3A = arith.constant 1.000000e+00 : f32
    %broadcast_in_dim3A_7 = vector.broadcast %broadcast_in_dim3A : f32 to vector<16xf32>
    %scan3A_8 = arith.constant 0 : i32
    %scan3A_9 = arith.constant 40 : i32
    %scan3A_10 = arith.addi %scan3A_8, %scan3A_9 : i32
    %scan3A_11 = arith.constant 1 : i32
    scf.for %scan3A_13 = %scan3A_8 to %scan3A_10 step %scan3A_11  : i32 {
      %mul3A_14 = arith.constant 1 : i32
      %mul3A_15 = arith.muli %scan3A_13, %mul3A_14 : i32
      %add3A_16 = arith.constant 0 : i32
      %add3A_17 = arith.addi %add3A_16, %mul3A_15 : i32
      %scan3A_18 = arith.constant 0 : i32
      %scan3A_19 = arith.constant 8 : i32
      %scan3A_20 = arith.addi %scan3A_18, %scan3A_19 : i32
      %scan3A_21 = arith.constant 1 : i32
      scf.for %scan3A_23 = %scan3A_18 to %scan3A_20 step %scan3A_21  : i32 {
        %mul3A_24 = arith.constant 1 : i32
        %mul3A_25 = arith.muli %scan3A_23, %mul3A_24 : i32
        %add3A_26 = arith.constant 0 : i32
        %add3A_27 = arith.addi %add3A_26, %mul3A_25 : i32
        %mul3A_28 = arith.constant 16 : i32
        %mul3A_29 = arith.muli %add3A_27, %mul3A_28 : i32
        %get3A = arith.index_cast %add3A_17 : i32 to index
        %get3A_30 = arith.index_cast %mul3A_29 : i32 to index
        %get3A_31 = tpu.vector_load %arg4[%get3A, %get3A_30] {strides = array<i32>} : memref<40x128xi32, #tpu.memory_space<vmem>>, vector<16xi32>,
        tpu.vector_store_idx %arg5[%get3A_31], %broadcast_in_dim3A_7 {add = true} : memref<10112xf32, #tpu.memory_space<vmem>>[vector<16xi32>], vector<16xf32>,
      }
      %scan3A_22 = arith.constant 8 : i32
    }
    %scan3A_12 = arith.constant 40 : i32
    "tpu.region"() ({
      %run_scoped3A = tpu.sem_alloc : memref<!tpu.dma_semaphore, #tpu.memory_space<semaphore_mem>>
      %dma_start3A = arith.constant 0 : i32
      %dma_start3A_13 = tpu.memref_slice %arg3[%add3A, %dma_start3A] : memref<32x10112xf32, #tpu.memory_space<hbm>> -> memref<1x10112xf32, #tpu.memory_space<hbm>>
      %dma_start3A_14 = tpu.memref_squeeze %dma_start3A_13 : memref<1x10112xf32, #tpu.memory_space<hbm>> -> memref<10112xf32, #tpu.memory_space<hbm>>
      %dma_start3A_15 = arith.constant 0 : i32
      %dma_start3A_16 = tpu.memref_slice %arg3[%add3A, %dma_start3A_15] : memref<32x10112xf32, #tpu.memory_space<hbm>> -> memref<1x10112xf32, #tpu.memory_space<hbm>>
      %dma_start3A_17 = tpu.memref_squeeze %dma_start3A_16 : memref<1x10112xf32, #tpu.memory_space<hbm>> -> memref<10112xf32, #tpu.memory_space<hbm>>
      tpu.enqueue_dma source(%arg5 : memref<10112xf32, #tpu.memory_space<vmem>>) target(%dma_start3A_17 : memref<10112xf32, #tpu.memory_space<hbm>>) target_semaphore(%run_scoped3A : memref<!tpu.dma_semaphore, #tpu.memory_space<semaphore_mem>>)
      %dma_wait3A = arith.constant 0 : i32
      %dma_wait3A_18 = tpu.memref_slice %arg3[%add3A, %dma_wait3A] : memref<32x10112xf32, #tpu.memory_space<hbm>> -> memref<1x10112xf32, #tpu.memory_space<hbm>>
      %dma_wait3A_19 = tpu.memref_squeeze %dma_wait3A_18 : memref<1x10112xf32, #tpu.memory_space<hbm>> -> memref<10112xf32, #tpu.memory_space<hbm>>
      %dma_wait3A_20 = arith.constant 0 : i32
      %dma_wait3A_21 = tpu.memref_slice %arg3[%add3A, %dma_wait3A_20] : memref<32x10112xf32, #tpu.memory_space<hbm>> -> memref<1x10112xf32, #tpu.memory_space<hbm>>
      %dma_wait3A_22 = tpu.memref_squeeze %dma_wait3A_21 : memref<1x10112xf32, #tpu.memory_space<hbm>> -> memref<10112xf32, #tpu.memory_space<hbm>>
      tpu.wait_dma2 semaphore(%run_scoped3A : memref<!tpu.dma_semaphore, #tpu.memory_space<semaphore_mem>>) src(%arg5 : memref<10112xf32, #tpu.memory_space<vmem>>) dst(%dma_wait3A_22 : memref<10112xf32, #tpu.memory_space<hbm>>)
      tpu.yield
    }) : () -> ()
    return
  }
}

#map = affine_map<(d0, d1) -> (0, 0, 0)>
#map1 = affine_map<(d0, d1) -> (0, 0)>
module attributes {stable_mosaic.version = 14 : i64} {
  func.func @k(%arg0: i32, %arg1: i32, %arg2: memref<2x10112x128xf32, #tpu.memory_space<hbm>>, %arg3: memref<1280x128xi32, #tpu.memory_space<hbm>>, %arg4: memref<1280x128xi32, #tpu.memory_space<hbm>>, %arg5: memref<2x10112x128xf32, #tpu.memory_space<hbm>>, %arg6: memref<40x128xi32, #tpu.memory_space<vmem>>, %arg7: memref<40x128xi32, #tpu.memory_space<vmem>>, %arg8: memref<128x128xf32, #tpu.memory_space<vmem>>, %arg9: memref<128x128xf32, #tpu.memory_space<vmem>>, %arg10: memref<10112x128xf32, #tpu.memory_space<vmem_shared>>, %arg11: memref<!tpu.dma_semaphore, #tpu.memory_space<semaphore_mem>>, %arg12: memref<!tpu.dma_semaphore, #tpu.memory_space<semaphore_mem>>) attributes {dimension_semantics = [#tpu.dimension_semantics<core_parallel>, #tpu.dimension_semantics<subcore_parallel>], iteration_bounds = array<i64: 2, 16>, scalar_prefetch = 0 : i64, scratch_operands = 7 : i64, tpu.core_type = #tpu.core_type<sc_vector_subcore>, window_params = [{transform_indices = #map}, {transform_indices = #map1}, {transform_indices = #map1}, {transform_indices = #map}]} {
    %mul3A = arith.constant 632 : i32
    %mul3A_0 = arith.muli %arg1, %mul3A : i32
    %scan3A = arith.constant 0 : i32
    %scan3A_1 = arith.constant 128 : i32
    %scan3A_2 = arith.addi %scan3A, %scan3A_1 : i32
    %scan3A_3 = arith.constant 1 : i32
    scf.for %scan3A_74 = %scan3A to %scan3A_2 step %scan3A_3  : i32 {
      %mul3A_75 = arith.constant 1 : i32
      %mul3A_76 = arith.muli %scan3A_74, %mul3A_75 : i32
      %add3A_77 = arith.constant 0 : i32
      %add3A_78 = arith.addi %add3A_77, %mul3A_76 : i32
      %scan3A_79 = arith.constant 0 : i32
      %scan3A_80 = arith.constant 8 : i32
      %scan3A_81 = arith.addi %scan3A_79, %scan3A_80 : i32
      %scan3A_82 = arith.constant 1 : i32
      scf.for %scan3A_84 = %scan3A_79 to %scan3A_81 step %scan3A_82  : i32 {
        %mul3A_85 = arith.constant 1 : i32
        %mul3A_86 = arith.muli %scan3A_84, %mul3A_85 : i32
        %add3A_87 = arith.constant 0 : i32
        %add3A_88 = arith.addi %add3A_87, %mul3A_86 : i32
        %broadcast_in_dim3A = arith.constant 0.000000e+00 : f32
        %broadcast_in_dim3A_89 = vector.broadcast %broadcast_in_dim3A : f32 to vector<16xf32>
        %mul3A_90 = arith.constant 16 : i32
        %mul3A_91 = arith.muli %add3A_88, %mul3A_90 : i32
        %swap3A = arith.index_cast %add3A_78 : i32 to index
        %swap3A_92 = arith.index_cast %mul3A_91 : i32 to index
        %swap3A_93 = tpu.vector_load %arg8[%swap3A, %swap3A_92] {strides = array<i32>} : memref<128x128xf32, #tpu.memory_space<vmem>>, vector<1x16xf32>,
        %swap3A_94 = vector.shape_cast %swap3A_93 : vector<1x16xf32> to vector<16xf32>
        %swap3A_95 = vector.shape_cast %broadcast_in_dim3A_89 : vector<16xf32> to vector<1x16xf32>
        tpu.vector_store %arg8[%swap3A, %swap3A_92], %swap3A_95 {strides = array<i32>} : memref<128x128xf32, #tpu.memory_space<vmem>>, vector<1x16xf32>,
      }
      %scan3A_83 = arith.constant 8 : i32
    }
    %scan3A_4 = arith.constant 128 : i32
    %add3A = arith.constant 0 : i32
    %add3A_5 = arith.addi %mul3A_0, %add3A : i32
    "tpu.region"() ({
      %run_scoped3A = tpu.sem_alloc : memref<!tpu.dma_semaphore, #tpu.memory_space<semaphore_mem>>
      %dma_start3A_74 = arith.constant 0 : i32
      %dma_start3A_75 = arith.constant 0 : i32
      %dma_start3A_76 = tpu.memref_slice %arg8[%dma_start3A_74, %dma_start3A_75] : memref<128x128xf32, #tpu.memory_space<vmem>> -> memref<128x128xf32, #tpu.memory_space<vmem>>
      %dma_start3A_77 = arith.constant 0 : i32
      %dma_start3A_78 = tpu.memref_slice %arg10[%add3A_5, %dma_start3A_77] : memref<10112x128xf32, #tpu.memory_space<vmem_shared>> -> memref<128x128xf32, #tpu.memory_space<vmem_shared>>
      %dma_start3A_79 = arith.constant 0 : i32
      %dma_start3A_80 = tpu.memref_slice %arg10[%add3A_5, %dma_start3A_79] : memref<10112x128xf32, #tpu.memory_space<vmem_shared>> -> memref<128x128xf32, #tpu.memory_space<vmem_shared>>
      %dma_start3A_81 = arith.constant 0 : i32
      %dma_start3A_82 = arith.constant 0 : i32
      %dma_start3A_83 = tpu.memref_slice %arg8[%dma_start3A_81, %dma_start3A_82] : memref<128x128xf32, #tpu.memory_space<vmem>> -> memref<128x128xf32, #tpu.memory_space<vmem>>
      tpu.enqueue_dma source(%dma_start3A_83 : memref<128x128xf32, #tpu.memory_space<vmem>>) target(%dma_start3A_80 : memref<128x128xf32, #tpu.memory_space<vmem_shared>>) target_semaphore(%run_scoped3A : memref<!tpu.dma_semaphore, #tpu.memory_space<semaphore_mem>>)
      %dma_wait3A = arith.constant 0 : i32
      %dma_wait3A_84 = arith.constant 0 : i32
      %dma_wait3A_85 = tpu.memref_slice %arg8[%dma_wait3A, %dma_wait3A_84] : memref<128x128xf32, #tpu.memory_space<vmem>> -> memref<128x128xf32, #tpu.memory_space<vmem>>
      %dma_wait3A_86 = arith.constant 0 : i32
      %dma_wait3A_87 = tpu.memref_slice %arg10[%add3A_5, %dma_wait3A_86] : memref<10112x128xf32, #tpu.memory_space<vmem_shared>> -> memref<128x128xf32, #tpu.memory_space<vmem_shared>>
      %dma_wait3A_88 = arith.constant 0 : i32
      %dma_wait3A_89 = tpu.memref_slice %arg10[%add3A_5, %dma_wait3A_88] : memref<10112x128xf32, #tpu.memory_space<vmem_shared>> -> memref<128x128xf32, #tpu.memory_space<vmem_shared>>
      %dma_wait3A_90 = arith.constant 0 : i32
      %dma_wait3A_91 = arith.constant 0 : i32
      %dma_wait3A_92 = tpu.memref_slice %arg8[%dma_wait3A_90, %dma_wait3A_91] : memref<128x128xf32, #tpu.memory_space<vmem>> -> memref<128x128xf32, #tpu.memory_space<vmem>>
      tpu.wait_dma2 semaphore(%run_scoped3A : memref<!tpu.dma_semaphore, #tpu.memory_space<semaphore_mem>>) src(%dma_wait3A_92 : memref<128x128xf32, #tpu.memory_space<vmem>>) dst(%dma_wait3A_89 : memref<128x128xf32, #tpu.memory_space<vmem_shared>>)
      tpu.yield
    }) : () -> ()
    %add3A_6 = arith.constant 128 : i32
    %add3A_7 = arith.addi %mul3A_0, %add3A_6 : i32
    "tpu.region"() ({
      %run_scoped3A = tpu.sem_alloc : memref<!tpu.dma_semaphore, #tpu.memory_space<semaphore_mem>>
      %dma_start3A_74 = arith.constant 0 : i32
      %dma_start3A_75 = arith.constant 0 : i32
      %dma_start3A_76 = tpu.memref_slice %arg8[%dma_start3A_74, %dma_start3A_75] : memref<128x128xf32, #tpu.memory_space<vmem>> -> memref<128x128xf32, #tpu.memory_space<vmem>>
      %dma_start3A_77 = arith.constant 0 : i32
      %dma_start3A_78 = tpu.memref_slice %arg10[%add3A_7, %dma_start3A_77] : memref<10112x128xf32, #tpu.memory_space<vmem_shared>> -> memref<128x128xf32, #tpu.memory_space<vmem_shared>>
      %dma_start3A_79 = arith.constant 0 : i32
      %dma_start3A_80 = tpu.memref_slice %arg10[%add3A_7, %dma_start3A_79] : memref<10112x128xf32, #tpu.memory_space<vmem_shared>> -> memref<128x128xf32, #tpu.memory_space<vmem_shared>>
      %dma_start3A_81 = arith.constant 0 : i32
      %dma_start3A_82 = arith.constant 0 : i32
      %dma_start3A_83 = tpu.memref_slice %arg8[%dma_start3A_81, %dma_start3A_82] : memref<128x128xf32, #tpu.memory_space<vmem>> -> memref<128x128xf32, #tpu.memory_space<vmem>>
      tpu.enqueue_dma source(%dma_start3A_83 : memref<128x128xf32, #tpu.memory_space<vmem>>) target(%dma_start3A_80 : memref<128x128xf32, #tpu.memory_space<vmem_shared>>) target_semaphore(%run_scoped3A : memref<!tpu.dma_semaphore, #tpu.memory_space<semaphore_mem>>)
      %dma_wait3A = arith.constant 0 : i32
      %dma_wait3A_84 = arith.constant 0 : i32
      %dma_wait3A_85 = tpu.memref_slice %arg8[%dma_wait3A, %dma_wait3A_84] : memref<128x128xf32, #tpu.memory_space<vmem>> -> memref<128x128xf32, #tpu.memory_space<vmem>>
      %dma_wait3A_86 = arith.constant 0 : i32
      %dma_wait3A_87 = tpu.memref_slice %arg10[%add3A_7, %dma_wait3A_86] : memref<10112x128xf32, #tpu.memory_space<vmem_shared>> -> memref<128x128xf32, #tpu.memory_space<vmem_shared>>
      %dma_wait3A_88 = arith.constant 0 : i32
      %dma_wait3A_89 = tpu.memref_slice %arg10[%add3A_7, %dma_wait3A_88] : memref<10112x128xf32, #tpu.memory_space<vmem_shared>> -> memref<128x128xf32, #tpu.memory_space<vmem_shared>>
      %dma_wait3A_90 = arith.constant 0 : i32
      %dma_wait3A_91 = arith.constant 0 : i32
      %dma_wait3A_92 = tpu.memref_slice %arg8[%dma_wait3A_90, %dma_wait3A_91] : memref<128x128xf32, #tpu.memory_space<vmem>> -> memref<128x128xf32, #tpu.memory_space<vmem>>
      tpu.wait_dma2 semaphore(%run_scoped3A : memref<!tpu.dma_semaphore, #tpu.memory_space<semaphore_mem>>) src(%dma_wait3A_92 : memref<128x128xf32, #tpu.memory_space<vmem>>) dst(%dma_wait3A_89 : memref<128x128xf32, #tpu.memory_space<vmem_shared>>)
      tpu.yield
    }) : () -> ()
    %add3A_8 = arith.constant 256 : i32
    %add3A_9 = arith.addi %mul3A_0, %add3A_8 : i32
    "tpu.region"() ({
      %run_scoped3A = tpu.sem_alloc : memref<!tpu.dma_semaphore, #tpu.memory_space<semaphore_mem>>
      %dma_start3A_74 = arith.constant 0 : i32
      %dma_start3A_75 = arith.constant 0 : i32
      %dma_start3A_76 = tpu.memref_slice %arg8[%dma_start3A_74, %dma_start3A_75] : memref<128x128xf32, #tpu.memory_space<vmem>> -> memref<128x128xf32, #tpu.memory_space<vmem>>
      %dma_start3A_77 = arith.constant 0 : i32
      %dma_start3A_78 = tpu.memref_slice %arg10[%add3A_9, %dma_start3A_77] : memref<10112x128xf32, #tpu.memory_space<vmem_shared>> -> memref<128x128xf32, #tpu.memory_space<vmem_shared>>
      %dma_start3A_79 = arith.constant 0 : i32
      %dma_start3A_80 = tpu.memref_slice %arg10[%add3A_9, %dma_start3A_79] : memref<10112x128xf32, #tpu.memory_space<vmem_shared>> -> memref<128x128xf32, #tpu.memory_space<vmem_shared>>
      %dma_start3A_81 = arith.constant 0 : i32
      %dma_start3A_82 = arith.constant 0 : i32
      %dma_start3A_83 = tpu.memref_slice %arg8[%dma_start3A_81, %dma_start3A_82] : memref<128x128xf32, #tpu.memory_space<vmem>> -> memref<128x128xf32, #tpu.memory_space<vmem>>
      tpu.enqueue_dma source(%dma_start3A_83 : memref<128x128xf32, #tpu.memory_space<vmem>>) target(%dma_start3A_80 : memref<128x128xf32, #tpu.memory_space<vmem_shared>>) target_semaphore(%run_scoped3A : memref<!tpu.dma_semaphore, #tpu.memory_space<semaphore_mem>>)
      %dma_wait3A = arith.constant 0 : i32
      %dma_wait3A_84 = arith.constant 0 : i32
      %dma_wait3A_85 = tpu.memref_slice %arg8[%dma_wait3A, %dma_wait3A_84] : memref<128x128xf32, #tpu.memory_space<vmem>> -> memref<128x128xf32, #tpu.memory_space<vmem>>
      %dma_wait3A_86 = arith.constant 0 : i32
      %dma_wait3A_87 = tpu.memref_slice %arg10[%add3A_9, %dma_wait3A_86] : memref<10112x128xf32, #tpu.memory_space<vmem_shared>> -> memref<128x128xf32, #tpu.memory_space<vmem_shared>>
      %dma_wait3A_88 = arith.constant 0 : i32
      %dma_wait3A_89 = tpu.memref_slice %arg10[%add3A_9, %dma_wait3A_88] : memref<10112x128xf32, #tpu.memory_space<vmem_shared>> -> memref<128x128xf32, #tpu.memory_space<vmem_shared>>
      %dma_wait3A_90 = arith.constant 0 : i32
      %dma_wait3A_91 = arith.constant 0 : i32
      %dma_wait3A_92 = tpu.memref_slice %arg8[%dma_wait3A_90, %dma_wait3A_91] : memref<128x128xf32, #tpu.memory_space<vmem>> -> memref<128x128xf32, #tpu.memory_space<vmem>>
      tpu.wait_dma2 semaphore(%run_scoped3A : memref<!tpu.dma_semaphore, #tpu.memory_space<semaphore_mem>>) src(%dma_wait3A_92 : memref<128x128xf32, #tpu.memory_space<vmem>>) dst(%dma_wait3A_89 : memref<128x128xf32, #tpu.memory_space<vmem_shared>>)
      tpu.yield
    }) : () -> ()
    %add3A_10 = arith.constant 384 : i32
    %add3A_11 = arith.addi %mul3A_0, %add3A_10 : i32
    "tpu.region"() ({
      %run_scoped3A = tpu.sem_alloc : memref<!tpu.dma_semaphore, #tpu.memory_space<semaphore_mem>>
      %dma_start3A_74 = arith.constant 0 : i32
      %dma_start3A_75 = arith.constant 0 : i32
      %dma_start3A_76 = tpu.memref_slice %arg8[%dma_start3A_74, %dma_start3A_75] : memref<128x128xf32, #tpu.memory_space<vmem>> -> memref<128x128xf32, #tpu.memory_space<vmem>>
      %dma_start3A_77 = arith.constant 0 : i32
      %dma_start3A_78 = tpu.memref_slice %arg10[%add3A_11, %dma_start3A_77] : memref<10112x128xf32, #tpu.memory_space<vmem_shared>> -> memref<128x128xf32, #tpu.memory_space<vmem_shared>>
      %dma_start3A_79 = arith.constant 0 : i32
      %dma_start3A_80 = tpu.memref_slice %arg10[%add3A_11, %dma_start3A_79] : memref<10112x128xf32, #tpu.memory_space<vmem_shared>> -> memref<128x128xf32, #tpu.memory_space<vmem_shared>>
      %dma_start3A_81 = arith.constant 0 : i32
      %dma_start3A_82 = arith.constant 0 : i32
      %dma_start3A_83 = tpu.memref_slice %arg8[%dma_start3A_81, %dma_start3A_82] : memref<128x128xf32, #tpu.memory_space<vmem>> -> memref<128x128xf32, #tpu.memory_space<vmem>>
      tpu.enqueue_dma source(%dma_start3A_83 : memref<128x128xf32, #tpu.memory_space<vmem>>) target(%dma_start3A_80 : memref<128x128xf32, #tpu.memory_space<vmem_shared>>) target_semaphore(%run_scoped3A : memref<!tpu.dma_semaphore, #tpu.memory_space<semaphore_mem>>)
      %dma_wait3A = arith.constant 0 : i32
      %dma_wait3A_84 = arith.constant 0 : i32
      %dma_wait3A_85 = tpu.memref_slice %arg8[%dma_wait3A, %dma_wait3A_84] : memref<128x128xf32, #tpu.memory_space<vmem>> -> memref<128x128xf32, #tpu.memory_space<vmem>>
      %dma_wait3A_86 = arith.constant 0 : i32
      %dma_wait3A_87 = tpu.memref_slice %arg10[%add3A_11, %dma_wait3A_86] : memref<10112x128xf32, #tpu.memory_space<vmem_shared>> -> memref<128x128xf32, #tpu.memory_space<vmem_shared>>
      %dma_wait3A_88 = arith.constant 0 : i32
      %dma_wait3A_89 = tpu.memref_slice %arg10[%add3A_11, %dma_wait3A_88] : memref<10112x128xf32, #tpu.memory_space<vmem_shared>> -> memref<128x128xf32, #tpu.memory_space<vmem_shared>>
      %dma_wait3A_90 = arith.constant 0 : i32
      %dma_wait3A_91 = arith.constant 0 : i32
      %dma_wait3A_92 = tpu.memref_slice %arg8[%dma_wait3A_90, %dma_wait3A_91] : memref<128x128xf32, #tpu.memory_space<vmem>> -> memref<128x128xf32, #tpu.memory_space<vmem>>
      tpu.wait_dma2 semaphore(%run_scoped3A : memref<!tpu.dma_semaphore, #tpu.memory_space<semaphore_mem>>) src(%dma_wait3A_92 : memref<128x128xf32, #tpu.memory_space<vmem>>) dst(%dma_wait3A_89 : memref<128x128xf32, #tpu.memory_space<vmem_shared>>)
      tpu.yield
    }) : () -> ()
    %add3A_12 = arith.constant 512 : i32
    %add3A_13 = arith.addi %mul3A_0, %add3A_12 : i32
    "tpu.region"() ({
      %run_scoped3A = tpu.sem_alloc : memref<!tpu.dma_semaphore, #tpu.memory_space<semaphore_mem>>
      %dma_start3A_74 = arith.constant 0 : i32
      %dma_start3A_75 = arith.constant 0 : i32
      %dma_start3A_76 = tpu.memref_slice %arg8[%dma_start3A_74, %dma_start3A_75] : memref<128x128xf32, #tpu.memory_space<vmem>> -> memref<120x128xf32, #tpu.memory_space<vmem>>
      %dma_start3A_77 = arith.constant 0 : i32
      %dma_start3A_78 = tpu.memref_slice %arg10[%add3A_13, %dma_start3A_77] : memref<10112x128xf32, #tpu.memory_space<vmem_shared>> -> memref<120x128xf32, #tpu.memory_space<vmem_shared>>
      %dma_start3A_79 = arith.constant 0 : i32
      %dma_start3A_80 = tpu.memref_slice %arg10[%add3A_13, %dma_start3A_79] : memref<10112x128xf32, #tpu.memory_space<vmem_shared>> -> memref<120x128xf32, #tpu.memory_space<vmem_shared>>
      %dma_start3A_81 = arith.constant 0 : i32
      %dma_start3A_82 = arith.constant 0 : i32
      %dma_start3A_83 = tpu.memref_slice %arg8[%dma_start3A_81, %dma_start3A_82] : memref<128x128xf32, #tpu.memory_space<vmem>> -> memref<120x128xf32, #tpu.memory_space<vmem>>
      tpu.enqueue_dma source(%dma_start3A_83 : memref<120x128xf32, #tpu.memory_space<vmem>>) target(%dma_start3A_80 : memref<120x128xf32, #tpu.memory_space<vmem_shared>>) target_semaphore(%run_scoped3A : memref<!tpu.dma_semaphore, #tpu.memory_space<semaphore_mem>>)
      %dma_wait3A = arith.constant 0 : i32
      %dma_wait3A_84 = arith.constant 0 : i32
      %dma_wait3A_85 = tpu.memref_slice %arg8[%dma_wait3A, %dma_wait3A_84] : memref<128x128xf32, #tpu.memory_space<vmem>> -> memref<120x128xf32, #tpu.memory_space<vmem>>
      %dma_wait3A_86 = arith.constant 0 : i32
      %dma_wait3A_87 = tpu.memref_slice %arg10[%add3A_13, %dma_wait3A_86] : memref<10112x128xf32, #tpu.memory_space<vmem_shared>> -> memref<120x128xf32, #tpu.memory_space<vmem_shared>>
      %dma_wait3A_88 = arith.constant 0 : i32
      %dma_wait3A_89 = tpu.memref_slice %arg10[%add3A_13, %dma_wait3A_88] : memref<10112x128xf32, #tpu.memory_space<vmem_shared>> -> memref<120x128xf32, #tpu.memory_space<vmem_shared>>
      %dma_wait3A_90 = arith.constant 0 : i32
      %dma_wait3A_91 = arith.constant 0 : i32
      %dma_wait3A_92 = tpu.memref_slice %arg8[%dma_wait3A_90, %dma_wait3A_91] : memref<128x128xf32, #tpu.memory_space<vmem>> -> memref<120x128xf32, #tpu.memory_space<vmem>>
      tpu.wait_dma2 semaphore(%run_scoped3A : memref<!tpu.dma_semaphore, #tpu.memory_space<semaphore_mem>>) src(%dma_wait3A_92 : memref<120x128xf32, #tpu.memory_space<vmem>>) dst(%dma_wait3A_89 : memref<120x128xf32, #tpu.memory_space<vmem_shared>>)
      tpu.yield
    }) : () -> ()
    %barrier3A = arith.constant 0 : index
    tpu.barrier barrier_id(%barrier3A)
    %mul3A_14 = arith.constant 80 : i32
    %mul3A_15 = arith.muli %arg1, %mul3A_14 : i32
    %add3A_16 = arith.constant 0 : i32
    %add3A_17 = arith.addi %mul3A_15, %add3A_16 : i32
    "tpu.region"() ({
      %run_scoped3A = tpu.sem_alloc : memref<!tpu.dma_semaphore, #tpu.memory_space<semaphore_mem>>
      %dma_start3A_74 = arith.constant 0 : i32
      %dma_start3A_75 = tpu.memref_slice %arg3[%add3A_17, %dma_start3A_74] : memref<1280x128xi32, #tpu.memory_space<hbm>> -> memref<40x128xi32, #tpu.memory_space<hbm>>
      %dma_start3A_76 = arith.constant 0 : i32
      %dma_start3A_77 = tpu.memref_slice %arg3[%add3A_17, %dma_start3A_76] : memref<1280x128xi32, #tpu.memory_space<hbm>> -> memref<40x128xi32, #tpu.memory_space<hbm>>
      tpu.enqueue_dma source(%dma_start3A_77 : memref<40x128xi32, #tpu.memory_space<hbm>>) target(%arg6 : memref<40x128xi32, #tpu.memory_space<vmem>>) target_semaphore(%run_scoped3A : memref<!tpu.dma_semaphore, #tpu.memory_space<semaphore_mem>>)
      %dma_wait3A = arith.constant 0 : i32
      %dma_wait3A_78 = tpu.memref_slice %arg3[%add3A_17, %dma_wait3A] : memref<1280x128xi32, #tpu.memory_space<hbm>> -> memref<40x128xi32, #tpu.memory_space<hbm>>
      %dma_wait3A_79 = arith.constant 0 : i32
      %dma_wait3A_80 = tpu.memref_slice %arg3[%add3A_17, %dma_wait3A_79] : memref<1280x128xi32, #tpu.memory_space<hbm>> -> memref<40x128xi32, #tpu.memory_space<hbm>>
      tpu.wait_dma2 semaphore(%run_scoped3A : memref<!tpu.dma_semaphore, #tpu.memory_space<semaphore_mem>>) src(%dma_wait3A_80 : memref<40x128xi32, #tpu.memory_space<hbm>>) dst(%arg6 : memref<40x128xi32, #tpu.memory_space<vmem>>)
      tpu.yield
    }) : () -> ()
    "tpu.region"() ({
      %run_scoped3A = tpu.sem_alloc : memref<!tpu.dma_semaphore, #tpu.memory_space<semaphore_mem>>
      %dma_start3A_74 = arith.constant 0 : i32
      %dma_start3A_75 = tpu.memref_slice %arg4[%add3A_17, %dma_start3A_74] : memref<1280x128xi32, #tpu.memory_space<hbm>> -> memref<40x128xi32, #tpu.memory_space<hbm>>
      %dma_start3A_76 = arith.constant 0 : i32
      %dma_start3A_77 = tpu.memref_slice %arg4[%add3A_17, %dma_start3A_76] : memref<1280x128xi32, #tpu.memory_space<hbm>> -> memref<40x128xi32, #tpu.memory_space<hbm>>
      tpu.enqueue_dma source(%dma_start3A_77 : memref<40x128xi32, #tpu.memory_space<hbm>>) target(%arg7 : memref<40x128xi32, #tpu.memory_space<vmem>>) target_semaphore(%run_scoped3A : memref<!tpu.dma_semaphore, #tpu.memory_space<semaphore_mem>>)
      %dma_wait3A = arith.constant 0 : i32
      %dma_wait3A_78 = tpu.memref_slice %arg4[%add3A_17, %dma_wait3A] : memref<1280x128xi32, #tpu.memory_space<hbm>> -> memref<40x128xi32, #tpu.memory_space<hbm>>
      %dma_wait3A_79 = arith.constant 0 : i32
      %dma_wait3A_80 = tpu.memref_slice %arg4[%add3A_17, %dma_wait3A_79] : memref<1280x128xi32, #tpu.memory_space<hbm>> -> memref<40x128xi32, #tpu.memory_space<hbm>>
      tpu.wait_dma2 semaphore(%run_scoped3A : memref<!tpu.dma_semaphore, #tpu.memory_space<semaphore_mem>>) src(%dma_wait3A_80 : memref<40x128xi32, #tpu.memory_space<hbm>>) dst(%arg7 : memref<40x128xi32, #tpu.memory_space<vmem>>)
      tpu.yield
    }) : () -> ()
    %dma_start3A = arith.constant 0 : i32
    %dma_start3A_18 = arith.constant 0 : i32
    %dma_start3A_19 = tpu.memref_slice %arg6[%dma_start3A, %dma_start3A_18] : memref<40x128xi32, #tpu.memory_space<vmem>> -> memref<1x128xi32, #tpu.memory_space<vmem>>
    %dma_start3A_20 = tpu.memref_squeeze %dma_start3A_19 : memref<1x128xi32, #tpu.memory_space<vmem>> -> memref<128xi32, #tpu.memory_space<vmem>>
    %dma_start3A_21 = arith.constant 0 : i32
    %dma_start3A_22 = arith.constant 0 : i32
    %dma_start3A_23 = tpu.memref_slice %arg2[%arg0, %dma_start3A_21, %dma_start3A_22] : memref<2x10112x128xf32, #tpu.memory_space<hbm>> -> memref<1x10112x128xf32, #tpu.memory_space<hbm>>
    %dma_start3A_24 = tpu.memref_squeeze %dma_start3A_23 : memref<1x10112x128xf32, #tpu.memory_space<hbm>> -> memref<10112x128xf32, #tpu.memory_space<hbm>>
    %dma_start3A_25 = arith.constant 0 : i32
    %dma_start3A_26 = arith.constant 0 : i32
    %dma_start3A_27 = tpu.memref_slice %dma_start3A_24[%dma_start3A_25, %dma_start3A_26] : memref<10112x128xf32, #tpu.memory_space<hbm>> -> memref<10112x128xf32, #tpu.memory_space<hbm>>
    tpu.enqueue_indirect_dma source(%dma_start3A_27 : memref<10112x128xf32, #tpu.memory_space<hbm>>) target(%arg8 : memref<128x128xf32, #tpu.memory_space<vmem>>) offsets(%dma_start3A_20 : memref<128xi32, #tpu.memory_space<vmem>>) semaphore(%arg11 : memref<!tpu.dma_semaphore, #tpu.memory_space<semaphore_mem>>)
    %dma_start3A_28 = arith.constant 1 : i32
    %dma_start3A_29 = arith.constant 0 : i32
    %dma_start3A_30 = tpu.memref_slice %arg6[%dma_start3A_28, %dma_start3A_29] : memref<40x128xi32, #tpu.memory_space<vmem>> -> memref<1x128xi32, #tpu.memory_space<vmem>>
    %dma_start3A_31 = tpu.memref_squeeze %dma_start3A_30 : memref<1x128xi32, #tpu.memory_space<vmem>> -> memref<128xi32, #tpu.memory_space<vmem>>
    %dma_start3A_32 = arith.constant 0 : i32
    %dma_start3A_33 = arith.constant 0 : i32
    %dma_start3A_34 = tpu.memref_slice %arg2[%arg0, %dma_start3A_32, %dma_start3A_33] : memref<2x10112x128xf32, #tpu.memory_space<hbm>> -> memref<1x10112x128xf32, #tpu.memory_space<hbm>>
    %dma_start3A_35 = tpu.memref_squeeze %dma_start3A_34 : memref<1x10112x128xf32, #tpu.memory_space<hbm>> -> memref<10112x128xf32, #tpu.memory_space<hbm>>
    %dma_start3A_36 = arith.constant 0 : i32
    %dma_start3A_37 = arith.constant 0 : i32
    %dma_start3A_38 = tpu.memref_slice %dma_start3A_35[%dma_start3A_36, %dma_start3A_37] : memref<10112x128xf32, #tpu.memory_space<hbm>> -> memref<10112x128xf32, #tpu.memory_space<hbm>>
    tpu.enqueue_indirect_dma source(%dma_start3A_38 : memref<10112x128xf32, #tpu.memory_space<hbm>>) target(%arg9 : memref<128x128xf32, #tpu.memory_space<vmem>>) offsets(%dma_start3A_31 : memref<128xi32, #tpu.memory_space<vmem>>) semaphore(%arg12 : memref<!tpu.dma_semaphore, #tpu.memory_space<semaphore_mem>>)
    %scan3A_39 = arith.constant 0 : i32
    %scan3A_40 = arith.constant 20 : i32
    %scan3A_41 = arith.addi %scan3A_39, %scan3A_40 : i32
    %scan3A_42 = arith.constant 1 : i32
    scf.for %scan3A_74 = %scan3A_39 to %scan3A_41 step %scan3A_42  : i32 {
      %mul3A_75 = arith.constant 1 : i32
      %mul3A_76 = arith.muli %scan3A_74, %mul3A_75 : i32
      %add3A_77 = arith.constant 0 : i32
      %add3A_78 = arith.addi %add3A_77, %mul3A_76 : i32
      %mul3A_79 = arith.constant 2 : i32
      %mul3A_80 = arith.muli %mul3A_79, %add3A_78 : i32
      %dma_wait3A = arith.constant 0 : i32
      %dma_wait3A_81 = tpu.memref_slice %arg6[%mul3A_80, %dma_wait3A] : memref<40x128xi32, #tpu.memory_space<vmem>> -> memref<1x128xi32, #tpu.memory_space<vmem>>
      %dma_wait3A_82 = tpu.memref_squeeze %dma_wait3A_81 : memref<1x128xi32, #tpu.memory_space<vmem>> -> memref<128xi32, #tpu.memory_space<vmem>>
      %dma_wait3A_83 = arith.constant 0 : i32
      %dma_wait3A_84 = arith.constant 0 : i32
      %dma_wait3A_85 = tpu.memref_slice %arg2[%arg0, %dma_wait3A_83, %dma_wait3A_84] : memref<2x10112x128xf32, #tpu.memory_space<hbm>> -> memref<1x10112x128xf32, #tpu.memory_space<hbm>>
      %dma_wait3A_86 = tpu.memref_squeeze %dma_wait3A_85 : memref<1x10112x128xf32, #tpu.memory_space<hbm>> -> memref<10112x128xf32, #tpu.memory_space<hbm>>
      %dma_wait3A_87 = arith.constant 0 : i32
      %dma_wait3A_88 = arith.constant 0 : i32
      %dma_wait3A_89 = tpu.memref_slice %dma_wait3A_86[%dma_wait3A_87, %dma_wait3A_88] : memref<10112x128xf32, #tpu.memory_space<hbm>> -> memref<10112x128xf32, #tpu.memory_space<hbm>>
      tpu.wait_indirect_dma semaphore(%arg11 : memref<!tpu.dma_semaphore, #tpu.memory_space<semaphore_mem>>) src(%dma_wait3A_89 : memref<10112x128xf32, #tpu.memory_space<hbm>>) dst(%arg8 : memref<128x128xf32, #tpu.memory_space<vmem>>)
      "tpu.region"() ({
        %run_scoped3A = tpu.sem_alloc : memref<!tpu.dma_semaphore, #tpu.memory_space<semaphore_mem>>
        %dma_start3A_111 = arith.constant 0 : i32
        %dma_start3A_112 = tpu.memref_slice %arg7[%mul3A_80, %dma_start3A_111] : memref<40x128xi32, #tpu.memory_space<vmem>> -> memref<1x128xi32, #tpu.memory_space<vmem>>
        %dma_start3A_113 = tpu.memref_squeeze %dma_start3A_112 : memref<1x128xi32, #tpu.memory_space<vmem>> -> memref<128xi32, #tpu.memory_space<vmem>>
        %dma_start3A_114 = arith.constant 0 : i32
        %dma_start3A_115 = arith.constant 0 : i32
        %dma_start3A_116 = tpu.memref_slice %arg10[%dma_start3A_114, %dma_start3A_115] : memref<10112x128xf32, #tpu.memory_space<vmem_shared>> -> memref<10112x128xf32, #tpu.memory_space<vmem_shared>>
        tpu.enqueue_indirect_dma source(%arg8 : memref<128x128xf32, #tpu.memory_space<vmem>>) target(%dma_start3A_116 : memref<10112x128xf32, #tpu.memory_space<vmem_shared>>) offsets(%dma_start3A_113 : memref<128xi32, #tpu.memory_space<vmem>>) semaphore(%run_scoped3A : memref<!tpu.dma_semaphore, #tpu.memory_space<semaphore_mem>>) {add = true}
        %dma_wait3A_117 = arith.constant 0 : i32
        %dma_wait3A_118 = tpu.memref_slice %arg7[%mul3A_80, %dma_wait3A_117] : memref<40x128xi32, #tpu.memory_space<vmem>> -> memref<1x128xi32, #tpu.memory_space<vmem>>
        %dma_wait3A_119 = tpu.memref_squeeze %dma_wait3A_118 : memref<1x128xi32, #tpu.memory_space<vmem>> -> memref<128xi32, #tpu.memory_space<vmem>>
        %dma_wait3A_120 = arith.constant 0 : i32
        %dma_wait3A_121 = arith.constant 0 : i32
        %dma_wait3A_122 = tpu.memref_slice %arg10[%dma_wait3A_120, %dma_wait3A_121] : memref<10112x128xf32, #tpu.memory_space<vmem_shared>> -> memref<10112x128xf32, #tpu.memory_space<vmem_shared>>
        tpu.wait_indirect_dma semaphore(%run_scoped3A : memref<!tpu.dma_semaphore, #tpu.memory_space<semaphore_mem>>) src(%arg8 : memref<128x128xf32, #tpu.memory_space<vmem>>) dst(%dma_wait3A_122 : memref<10112x128xf32, #tpu.memory_space<vmem_shared>>)
        tpu.yield
      }) : () -> ()
      %lt3A = arith.constant 19 : i32
      %lt3A_90 = arith.cmpi slt, %add3A_78, %lt3A : i32
      %convert_element_type3A = arith.extui %lt3A_90 : i1 to i32
      %cond3A = arith.constant 0 : i32
      %cond3A_91 = arith.cmpi ne, %convert_element_type3A, %cond3A : i32
      scf.if %cond3A_91 {
        %add3A_111 = arith.constant 2 : i32
        %add3A_112 = arith.addi %mul3A_80, %add3A_111 : i32
        %dma_start3A_113 = arith.constant 0 : i32
        %dma_start3A_114 = tpu.memref_slice %arg6[%add3A_112, %dma_start3A_113] : memref<40x128xi32, #tpu.memory_space<vmem>> -> memref<1x128xi32, #tpu.memory_space<vmem>>
        %dma_start3A_115 = tpu.memref_squeeze %dma_start3A_114 : memref<1x128xi32, #tpu.memory_space<vmem>> -> memref<128xi32, #tpu.memory_space<vmem>>
        %dma_start3A_116 = arith.constant 0 : i32
        %dma_start3A_117 = arith.constant 0 : i32
        %dma_start3A_118 = tpu.memref_slice %arg2[%arg0, %dma_start3A_116, %dma_start3A_117] : memref<2x10112x128xf32, #tpu.memory_space<hbm>> -> memref<1x10112x128xf32, #tpu.memory_space<hbm>>
        %dma_start3A_119 = tpu.memref_squeeze %dma_start3A_118 : memref<1x10112x128xf32, #tpu.memory_space<hbm>> -> memref<10112x128xf32, #tpu.memory_space<hbm>>
        %dma_start3A_120 = arith.constant 0 : i32
        %dma_start3A_121 = arith.constant 0 : i32
        %dma_start3A_122 = tpu.memref_slice %dma_start3A_119[%dma_start3A_120, %dma_start3A_121] : memref<10112x128xf32, #tpu.memory_space<hbm>> -> memref<10112x128xf32, #tpu.memory_space<hbm>>
        tpu.enqueue_indirect_dma source(%dma_start3A_122 : memref<10112x128xf32, #tpu.memory_space<hbm>>) target(%arg8 : memref<128x128xf32, #tpu.memory_space<vmem>>) offsets(%dma_start3A_115 : memref<128xi32, #tpu.memory_space<vmem>>) semaphore(%arg11 : memref<!tpu.dma_semaphore, #tpu.memory_space<semaphore_mem>>)
      } else {
      }
      %add3A_92 = arith.constant 1 : i32
      %add3A_93 = arith.addi %mul3A_80, %add3A_92 : i32
      %dma_wait3A_94 = arith.constant 0 : i32
      %dma_wait3A_95 = tpu.memref_slice %arg6[%add3A_93, %dma_wait3A_94] : memref<40x128xi32, #tpu.memory_space<vmem>> -> memref<1x128xi32, #tpu.memory_space<vmem>>
      %dma_wait3A_96 = tpu.memref_squeeze %dma_wait3A_95 : memref<1x128xi32, #tpu.memory_space<vmem>> -> memref<128xi32, #tpu.memory_space<vmem>>
      %dma_wait3A_97 = arith.constant 0 : i32
      %dma_wait3A_98 = arith.constant 0 : i32
      %dma_wait3A_99 = tpu.memref_slice %arg2[%arg0, %dma_wait3A_97, %dma_wait3A_98] : memref<2x10112x128xf32, #tpu.memory_space<hbm>> -> memref<1x10112x128xf32, #tpu.memory_space<hbm>>
      %dma_wait3A_100 = tpu.memref_squeeze %dma_wait3A_99 : memref<1x10112x128xf32, #tpu.memory_space<hbm>> -> memref<10112x128xf32, #tpu.memory_space<hbm>>
      %dma_wait3A_101 = arith.constant 0 : i32
      %dma_wait3A_102 = arith.constant 0 : i32
      %dma_wait3A_103 = tpu.memref_slice %dma_wait3A_100[%dma_wait3A_101, %dma_wait3A_102] : memref<10112x128xf32, #tpu.memory_space<hbm>> -> memref<10112x128xf32, #tpu.memory_space<hbm>>
      tpu.wait_indirect_dma semaphore(%arg12 : memref<!tpu.dma_semaphore, #tpu.memory_space<semaphore_mem>>) src(%dma_wait3A_103 : memref<10112x128xf32, #tpu.memory_space<hbm>>) dst(%arg9 : memref<128x128xf32, #tpu.memory_space<vmem>>)
      %add3A_104 = arith.constant 1 : i32
      %add3A_105 = arith.addi %mul3A_80, %add3A_104 : i32
      "tpu.region"() ({
        %run_scoped3A = tpu.sem_alloc : memref<!tpu.dma_semaphore, #tpu.memory_space<semaphore_mem>>
        %dma_start3A_111 = arith.constant 0 : i32
        %dma_start3A_112 = tpu.memref_slice %arg7[%add3A_105, %dma_start3A_111] : memref<40x128xi32, #tpu.memory_space<vmem>> -> memref<1x128xi32, #tpu.memory_space<vmem>>
        %dma_start3A_113 = tpu.memref_squeeze %dma_start3A_112 : memref<1x128xi32, #tpu.memory_space<vmem>> -> memref<128xi32, #tpu.memory_space<vmem>>
        %dma_start3A_114 = arith.constant 0 : i32
        %dma_start3A_115 = arith.constant 0 : i32
        %dma_start3A_116 = tpu.memref_slice %arg10[%dma_start3A_114, %dma_start3A_115] : memref<10112x128xf32, #tpu.memory_space<vmem_shared>> -> memref<10112x128xf32, #tpu.memory_space<vmem_shared>>
        tpu.enqueue_indirect_dma source(%arg9 : memref<128x128xf32, #tpu.memory_space<vmem>>) target(%dma_start3A_116 : memref<10112x128xf32, #tpu.memory_space<vmem_shared>>) offsets(%dma_start3A_113 : memref<128xi32, #tpu.memory_space<vmem>>) semaphore(%run_scoped3A : memref<!tpu.dma_semaphore, #tpu.memory_space<semaphore_mem>>) {add = true}
        %dma_wait3A_117 = arith.constant 0 : i32
        %dma_wait3A_118 = tpu.memref_slice %arg7[%add3A_105, %dma_wait3A_117] : memref<40x128xi32, #tpu.memory_space<vmem>> -> memref<1x128xi32, #tpu.memory_space<vmem>>
        %dma_wait3A_119 = tpu.memref_squeeze %dma_wait3A_118 : memref<1x128xi32, #tpu.memory_space<vmem>> -> memref<128xi32, #tpu.memory_space<vmem>>
        %dma_wait3A_120 = arith.constant 0 : i32
        %dma_wait3A_121 = arith.constant 0 : i32
        %dma_wait3A_122 = tpu.memref_slice %arg10[%dma_wait3A_120, %dma_wait3A_121] : memref<10112x128xf32, #tpu.memory_space<vmem_shared>> -> memref<10112x128xf32, #tpu.memory_space<vmem_shared>>
        tpu.wait_indirect_dma semaphore(%run_scoped3A : memref<!tpu.dma_semaphore, #tpu.memory_space<semaphore_mem>>) src(%arg9 : memref<128x128xf32, #tpu.memory_space<vmem>>) dst(%dma_wait3A_122 : memref<10112x128xf32, #tpu.memory_space<vmem_shared>>)
        tpu.yield
      }) : () -> ()
      %lt3A_106 = arith.constant 19 : i32
      %lt3A_107 = arith.cmpi slt, %add3A_78, %lt3A_106 : i32
      %convert_element_type3A_108 = arith.extui %lt3A_107 : i1 to i32
      %cond3A_109 = arith.constant 0 : i32
      %cond3A_110 = arith.cmpi ne, %convert_element_type3A_108, %cond3A_109 : i32
      scf.if %cond3A_110 {
        %add3A_111 = arith.constant 3 : i32
        %add3A_112 = arith.addi %mul3A_80, %add3A_111 : i32
        %dma_start3A_113 = arith.constant 0 : i32
        %dma_start3A_114 = tpu.memref_slice %arg6[%add3A_112, %dma_start3A_113] : memref<40x128xi32, #tpu.memory_space<vmem>> -> memref<1x128xi32, #tpu.memory_space<vmem>>
        %dma_start3A_115 = tpu.memref_squeeze %dma_start3A_114 : memref<1x128xi32, #tpu.memory_space<vmem>> -> memref<128xi32, #tpu.memory_space<vmem>>
        %dma_start3A_116 = arith.constant 0 : i32
        %dma_start3A_117 = arith.constant 0 : i32
        %dma_start3A_118 = tpu.memref_slice %arg2[%arg0, %dma_start3A_116, %dma_start3A_117] : memref<2x10112x128xf32, #tpu.memory_space<hbm>> -> memref<1x10112x128xf32, #tpu.memory_space<hbm>>
        %dma_start3A_119 = tpu.memref_squeeze %dma_start3A_118 : memref<1x10112x128xf32, #tpu.memory_space<hbm>> -> memref<10112x128xf32, #tpu.memory_space<hbm>>
        %dma_start3A_120 = arith.constant 0 : i32
        %dma_start3A_121 = arith.constant 0 : i32
        %dma_start3A_122 = tpu.memref_slice %dma_start3A_119[%dma_start3A_120, %dma_start3A_121] : memref<10112x128xf32, #tpu.memory_space<hbm>> -> memref<10112x128xf32, #tpu.memory_space<hbm>>
        tpu.enqueue_indirect_dma source(%dma_start3A_122 : memref<10112x128xf32, #tpu.memory_space<hbm>>) target(%arg9 : memref<128x128xf32, #tpu.memory_space<vmem>>) offsets(%dma_start3A_115 : memref<128xi32, #tpu.memory_space<vmem>>) semaphore(%arg12 : memref<!tpu.dma_semaphore, #tpu.memory_space<semaphore_mem>>)
      } else {
      }
    }
    %scan3A_43 = arith.constant 20 : i32
    %add3A_44 = arith.constant 40 : i32
    %add3A_45 = arith.addi %mul3A_15, %add3A_44 : i32
    "tpu.region"() ({
      %run_scoped3A = tpu.sem_alloc : memref<!tpu.dma_semaphore, #tpu.memory_space<semaphore_mem>>
      %dma_start3A_74 = arith.constant 0 : i32
      %dma_start3A_75 = tpu.memref_slice %arg3[%add3A_45, %dma_start3A_74] : memref<1280x128xi32, #tpu.memory_space<hbm>> -> memref<40x128xi32, #tpu.memory_space<hbm>>
      %dma_start3A_76 = arith.constant 0 : i32
      %dma_start3A_77 = tpu.memref_slice %arg3[%add3A_45, %dma_start3A_76] : memref<1280x128xi32, #tpu.memory_space<hbm>> -> memref<40x128xi32, #tpu.memory_space<hbm>>
      tpu.enqueue_dma source(%dma_start3A_77 : memref<40x128xi32, #tpu.memory_space<hbm>>) target(%arg6 : memref<40x128xi32, #tpu.memory_space<vmem>>) target_semaphore(%run_scoped3A : memref<!tpu.dma_semaphore, #tpu.memory_space<semaphore_mem>>)
      %dma_wait3A = arith.constant 0 : i32
      %dma_wait3A_78 = tpu.memref_slice %arg3[%add3A_45, %dma_wait3A] : memref<1280x128xi32, #tpu.memory_space<hbm>> -> memref<40x128xi32, #tpu.memory_space<hbm>>
      %dma_wait3A_79 = arith.constant 0 : i32
      %dma_wait3A_80 = tpu.memref_slice %arg3[%add3A_45, %dma_wait3A_79] : memref<1280x128xi32, #tpu.memory_space<hbm>> -> memref<40x128xi32, #tpu.memory_space<hbm>>
      tpu.wait_dma2 semaphore(%run_scoped3A : memref<!tpu.dma_semaphore, #tpu.memory_space<semaphore_mem>>) src(%dma_wait3A_80 : memref<40x128xi32, #tpu.memory_space<hbm>>) dst(%arg6 : memref<40x128xi32, #tpu.memory_space<vmem>>)
      tpu.yield
    }) : () -> ()
    "tpu.region"() ({
      %run_scoped3A = tpu.sem_alloc : memref<!tpu.dma_semaphore, #tpu.memory_space<semaphore_mem>>
      %dma_start3A_74 = arith.constant 0 : i32
      %dma_start3A_75 = tpu.memref_slice %arg4[%add3A_45, %dma_start3A_74] : memref<1280x128xi32, #tpu.memory_space<hbm>> -> memref<40x128xi32, #tpu.memory_space<hbm>>
      %dma_start3A_76 = arith.constant 0 : i32
      %dma_start3A_77 = tpu.memref_slice %arg4[%add3A_45, %dma_start3A_76] : memref<1280x128xi32, #tpu.memory_space<hbm>> -> memref<40x128xi32, #tpu.memory_space<hbm>>
      tpu.enqueue_dma source(%dma_start3A_77 : memref<40x128xi32, #tpu.memory_space<hbm>>) target(%arg7 : memref<40x128xi32, #tpu.memory_space<vmem>>) target_semaphore(%run_scoped3A : memref<!tpu.dma_semaphore, #tpu.memory_space<semaphore_mem>>)
      %dma_wait3A = arith.constant 0 : i32
      %dma_wait3A_78 = tpu.memref_slice %arg4[%add3A_45, %dma_wait3A] : memref<1280x128xi32, #tpu.memory_space<hbm>> -> memref<40x128xi32, #tpu.memory_space<hbm>>
      %dma_wait3A_79 = arith.constant 0 : i32
      %dma_wait3A_80 = tpu.memref_slice %arg4[%add3A_45, %dma_wait3A_79] : memref<1280x128xi32, #tpu.memory_space<hbm>> -> memref<40x128xi32, #tpu.memory_space<hbm>>
      tpu.wait_dma2 semaphore(%run_scoped3A : memref<!tpu.dma_semaphore, #tpu.memory_space<semaphore_mem>>) src(%dma_wait3A_80 : memref<40x128xi32, #tpu.memory_space<hbm>>) dst(%arg7 : memref<40x128xi32, #tpu.memory_space<vmem>>)
      tpu.yield
    }) : () -> ()
    %dma_start3A_46 = arith.constant 0 : i32
    %dma_start3A_47 = arith.constant 0 : i32
    %dma_start3A_48 = tpu.memref_slice %arg6[%dma_start3A_46, %dma_start3A_47] : memref<40x128xi32, #tpu.memory_space<vmem>> -> memref<1x128xi32, #tpu.memory_space<vmem>>
    %dma_start3A_49 = tpu.memref_squeeze %dma_start3A_48 : memref<1x128xi32, #tpu.memory_space<vmem>> -> memref<128xi32, #tpu.memory_space<vmem>>
    %dma_start3A_50 = arith.constant 0 : i32
    %dma_start3A_51 = arith.constant 0 : i32
    %dma_start3A_52 = tpu.memref_slice %arg2[%arg0, %dma_start3A_50, %dma_start3A_51] : memref<2x10112x128xf32, #tpu.memory_space<hbm>> -> memref<1x10112x128xf32, #tpu.memory_space<hbm>>
    %dma_start3A_53 = tpu.memref_squeeze %dma_start3A_52 : memref<1x10112x128xf32, #tpu.memory_space<hbm>> -> memref<10112x128xf32, #tpu.memory_space<hbm>>
    %dma_start3A_54 = arith.constant 0 : i32
    %dma_start3A_55 = arith.constant 0 : i32
    %dma_start3A_56 = tpu.memref_slice %dma_start3A_53[%dma_start3A_54, %dma_start3A_55] : memref<10112x128xf32, #tpu.memory_space<hbm>> -> memref<10112x128xf32, #tpu.memory_space<hbm>>
    tpu.enqueue_indirect_dma source(%dma_start3A_56 : memref<10112x128xf32, #tpu.memory_space<hbm>>) target(%arg8 : memref<128x128xf32, #tpu.memory_space<vmem>>) offsets(%dma_start3A_49 : memref<128xi32, #tpu.memory_space<vmem>>) semaphore(%arg11 : memref<!tpu.dma_semaphore, #tpu.memory_space<semaphore_mem>>)
    %dma_start3A_57 = arith.constant 1 : i32
    %dma_start3A_58 = arith.constant 0 : i32
    %dma_start3A_59 = tpu.memref_slice %arg6[%dma_start3A_57, %dma_start3A_58] : memref<40x128xi32, #tpu.memory_space<vmem>> -> memref<1x128xi32, #tpu.memory_space<vmem>>
    %dma_start3A_60 = tpu.memref_squeeze %dma_start3A_59 : memref<1x128xi32, #tpu.memory_space<vmem>> -> memref<128xi32, #tpu.memory_space<vmem>>
    %dma_start3A_61 = arith.constant 0 : i32
    %dma_start3A_62 = arith.constant 0 : i32
    %dma_start3A_63 = tpu.memref_slice %arg2[%arg0, %dma_start3A_61, %dma_start3A_62] : memref<2x10112x128xf32, #tpu.memory_space<hbm>> -> memref<1x10112x128xf32, #tpu.memory_space<hbm>>
    %dma_start3A_64 = tpu.memref_squeeze %dma_start3A_63 : memref<1x10112x128xf32, #tpu.memory_space<hbm>> -> memref<10112x128xf32, #tpu.memory_space<hbm>>
    %dma_start3A_65 = arith.constant 0 : i32
    %dma_start3A_66 = arith.constant 0 : i32
    %dma_start3A_67 = tpu.memref_slice %dma_start3A_64[%dma_start3A_65, %dma_start3A_66] : memref<10112x128xf32, #tpu.memory_space<hbm>> -> memref<10112x128xf32, #tpu.memory_space<hbm>>
    tpu.enqueue_indirect_dma source(%dma_start3A_67 : memref<10112x128xf32, #tpu.memory_space<hbm>>) target(%arg9 : memref<128x128xf32, #tpu.memory_space<vmem>>) offsets(%dma_start3A_60 : memref<128xi32, #tpu.memory_space<vmem>>) semaphore(%arg12 : memref<!tpu.dma_semaphore, #tpu.memory_space<semaphore_mem>>)
    %scan3A_68 = arith.constant 0 : i32
    %scan3A_69 = arith.constant 20 : i32
    %scan3A_70 = arith.addi %scan3A_68, %scan3A_69 : i32
    %scan3A_71 = arith.constant 1 : i32
    scf.for %scan3A_74 = %scan3A_68 to %scan3A_70 step %scan3A_71  : i32 {
      %mul3A_75 = arith.constant 1 : i32
      %mul3A_76 = arith.muli %scan3A_74, %mul3A_75 : i32
      %add3A_77 = arith.constant 0 : i32
      %add3A_78 = arith.addi %add3A_77, %mul3A_76 : i32
      %mul3A_79 = arith.constant 2 : i32
      %mul3A_80 = arith.muli %mul3A_79, %add3A_78 : i32
      %dma_wait3A = arith.constant 0 : i32
      %dma_wait3A_81 = tpu.memref_slice %arg6[%mul3A_80, %dma_wait3A] : memref<40x128xi32, #tpu.memory_space<vmem>> -> memref<1x128xi32, #tpu.memory_space<vmem>>
      %dma_wait3A_82 = tpu.memref_squeeze %dma_wait3A_81 : memref<1x128xi32, #tpu.memory_space<vmem>> -> memref<128xi32, #tpu.memory_space<vmem>>
      %dma_wait3A_83 = arith.constant 0 : i32
      %dma_wait3A_84 = arith.constant 0 : i32
      %dma_wait3A_85 = tpu.memref_slice %arg2[%arg0, %dma_wait3A_83, %dma_wait3A_84] : memref<2x10112x128xf32, #tpu.memory_space<hbm>> -> memref<1x10112x128xf32, #tpu.memory_space<hbm>>
      %dma_wait3A_86 = tpu.memref_squeeze %dma_wait3A_85 : memref<1x10112x128xf32, #tpu.memory_space<hbm>> -> memref<10112x128xf32, #tpu.memory_space<hbm>>
      %dma_wait3A_87 = arith.constant 0 : i32
      %dma_wait3A_88 = arith.constant 0 : i32
      %dma_wait3A_89 = tpu.memref_slice %dma_wait3A_86[%dma_wait3A_87, %dma_wait3A_88] : memref<10112x128xf32, #tpu.memory_space<hbm>> -> memref<10112x128xf32, #tpu.memory_space<hbm>>
      tpu.wait_indirect_dma semaphore(%arg11 : memref<!tpu.dma_semaphore, #tpu.memory_space<semaphore_mem>>) src(%dma_wait3A_89 : memref<10112x128xf32, #tpu.memory_space<hbm>>) dst(%arg8 : memref<128x128xf32, #tpu.memory_space<vmem>>)
      "tpu.region"() ({
        %run_scoped3A = tpu.sem_alloc : memref<!tpu.dma_semaphore, #tpu.memory_space<semaphore_mem>>
        %dma_start3A_111 = arith.constant 0 : i32
        %dma_start3A_112 = tpu.memref_slice %arg7[%mul3A_80, %dma_start3A_111] : memref<40x128xi32, #tpu.memory_space<vmem>> -> memref<1x128xi32, #tpu.memory_space<vmem>>
        %dma_start3A_113 = tpu.memref_squeeze %dma_start3A_112 : memref<1x128xi32, #tpu.memory_space<vmem>> -> memref<128xi32, #tpu.memory_space<vmem>>
        %dma_start3A_114 = arith.constant 0 : i32
        %dma_start3A_115 = arith.constant 0 : i32
        %dma_start3A_116 = tpu.memref_slice %arg10[%dma_start3A_114, %dma_start3A_115] : memref<10112x128xf32, #tpu.memory_space<vmem_shared>> -> memref<10112x128xf32, #tpu.memory_space<vmem_shared>>
        tpu.enqueue_indirect_dma source(%arg8 : memref<128x128xf32, #tpu.memory_space<vmem>>) target(%dma_start3A_116 : memref<10112x128xf32, #tpu.memory_space<vmem_shared>>) offsets(%dma_start3A_113 : memref<128xi32, #tpu.memory_space<vmem>>) semaphore(%run_scoped3A : memref<!tpu.dma_semaphore, #tpu.memory_space<semaphore_mem>>) {add = true}
        %dma_wait3A_117 = arith.constant 0 : i32
        %dma_wait3A_118 = tpu.memref_slice %arg7[%mul3A_80, %dma_wait3A_117] : memref<40x128xi32, #tpu.memory_space<vmem>> -> memref<1x128xi32, #tpu.memory_space<vmem>>
        %dma_wait3A_119 = tpu.memref_squeeze %dma_wait3A_118 : memref<1x128xi32, #tpu.memory_space<vmem>> -> memref<128xi32, #tpu.memory_space<vmem>>
        %dma_wait3A_120 = arith.constant 0 : i32
        %dma_wait3A_121 = arith.constant 0 : i32
        %dma_wait3A_122 = tpu.memref_slice %arg10[%dma_wait3A_120, %dma_wait3A_121] : memref<10112x128xf32, #tpu.memory_space<vmem_shared>> -> memref<10112x128xf32, #tpu.memory_space<vmem_shared>>
        tpu.wait_indirect_dma semaphore(%run_scoped3A : memref<!tpu.dma_semaphore, #tpu.memory_space<semaphore_mem>>) src(%arg8 : memref<128x128xf32, #tpu.memory_space<vmem>>) dst(%dma_wait3A_122 : memref<10112x128xf32, #tpu.memory_space<vmem_shared>>)
        tpu.yield
      }) : () -> ()
      %lt3A = arith.constant 19 : i32
      %lt3A_90 = arith.cmpi slt, %add3A_78, %lt3A : i32
      %convert_element_type3A = arith.extui %lt3A_90 : i1 to i32
      %cond3A = arith.constant 0 : i32
      %cond3A_91 = arith.cmpi ne, %convert_element_type3A, %cond3A : i32
      scf.if %cond3A_91 {
        %add3A_111 = arith.constant 2 : i32
        %add3A_112 = arith.addi %mul3A_80, %add3A_111 : i32
        %dma_start3A_113 = arith.constant 0 : i32
        %dma_start3A_114 = tpu.memref_slice %arg6[%add3A_112, %dma_start3A_113] : memref<40x128xi32, #tpu.memory_space<vmem>> -> memref<1x128xi32, #tpu.memory_space<vmem>>
        %dma_start3A_115 = tpu.memref_squeeze %dma_start3A_114 : memref<1x128xi32, #tpu.memory_space<vmem>> -> memref<128xi32, #tpu.memory_space<vmem>>
        %dma_start3A_116 = arith.constant 0 : i32
        %dma_start3A_117 = arith.constant 0 : i32
        %dma_start3A_118 = tpu.memref_slice %arg2[%arg0, %dma_start3A_116, %dma_start3A_117] : memref<2x10112x128xf32, #tpu.memory_space<hbm>> -> memref<1x10112x128xf32, #tpu.memory_space<hbm>>
        %dma_start3A_119 = tpu.memref_squeeze %dma_start3A_118 : memref<1x10112x128xf32, #tpu.memory_space<hbm>> -> memref<10112x128xf32, #tpu.memory_space<hbm>>
        %dma_start3A_120 = arith.constant 0 : i32
        %dma_start3A_121 = arith.constant 0 : i32
        %dma_start3A_122 = tpu.memref_slice %dma_start3A_119[%dma_start3A_120, %dma_start3A_121] : memref<10112x128xf32, #tpu.memory_space<hbm>> -> memref<10112x128xf32, #tpu.memory_space<hbm>>
        tpu.enqueue_indirect_dma source(%dma_start3A_122 : memref<10112x128xf32, #tpu.memory_space<hbm>>) target(%arg8 : memref<128x128xf32, #tpu.memory_space<vmem>>) offsets(%dma_start3A_115 : memref<128xi32, #tpu.memory_space<vmem>>) semaphore(%arg11 : memref<!tpu.dma_semaphore, #tpu.memory_space<semaphore_mem>>)
      } else {
      }
      %add3A_92 = arith.constant 1 : i32
      %add3A_93 = arith.addi %mul3A_80, %add3A_92 : i32
      %dma_wait3A_94 = arith.constant 0 : i32
      %dma_wait3A_95 = tpu.memref_slice %arg6[%add3A_93, %dma_wait3A_94] : memref<40x128xi32, #tpu.memory_space<vmem>> -> memref<1x128xi32, #tpu.memory_space<vmem>>
      %dma_wait3A_96 = tpu.memref_squeeze %dma_wait3A_95 : memref<1x128xi32, #tpu.memory_space<vmem>> -> memref<128xi32, #tpu.memory_space<vmem>>
      %dma_wait3A_97 = arith.constant 0 : i32
      %dma_wait3A_98 = arith.constant 0 : i32
      %dma_wait3A_99 = tpu.memref_slice %arg2[%arg0, %dma_wait3A_97, %dma_wait3A_98] : memref<2x10112x128xf32, #tpu.memory_space<hbm>> -> memref<1x10112x128xf32, #tpu.memory_space<hbm>>
      %dma_wait3A_100 = tpu.memref_squeeze %dma_wait3A_99 : memref<1x10112x128xf32, #tpu.memory_space<hbm>> -> memref<10112x128xf32, #tpu.memory_space<hbm>>
      %dma_wait3A_101 = arith.constant 0 : i32
      %dma_wait3A_102 = arith.constant 0 : i32
      %dma_wait3A_103 = tpu.memref_slice %dma_wait3A_100[%dma_wait3A_101, %dma_wait3A_102] : memref<10112x128xf32, #tpu.memory_space<hbm>> -> memref<10112x128xf32, #tpu.memory_space<hbm>>
      tpu.wait_indirect_dma semaphore(%arg12 : memref<!tpu.dma_semaphore, #tpu.memory_space<semaphore_mem>>) src(%dma_wait3A_103 : memref<10112x128xf32, #tpu.memory_space<hbm>>) dst(%arg9 : memref<128x128xf32, #tpu.memory_space<vmem>>)
      %add3A_104 = arith.constant 1 : i32
      %add3A_105 = arith.addi %mul3A_80, %add3A_104 : i32
      "tpu.region"() ({
        %run_scoped3A = tpu.sem_alloc : memref<!tpu.dma_semaphore, #tpu.memory_space<semaphore_mem>>
        %dma_start3A_111 = arith.constant 0 : i32
        %dma_start3A_112 = tpu.memref_slice %arg7[%add3A_105, %dma_start3A_111] : memref<40x128xi32, #tpu.memory_space<vmem>> -> memref<1x128xi32, #tpu.memory_space<vmem>>
        %dma_start3A_113 = tpu.memref_squeeze %dma_start3A_112 : memref<1x128xi32, #tpu.memory_space<vmem>> -> memref<128xi32, #tpu.memory_space<vmem>>
        %dma_start3A_114 = arith.constant 0 : i32
        %dma_start3A_115 = arith.constant 0 : i32
        %dma_start3A_116 = tpu.memref_slice %arg10[%dma_start3A_114, %dma_start3A_115] : memref<10112x128xf32, #tpu.memory_space<vmem_shared>> -> memref<10112x128xf32, #tpu.memory_space<vmem_shared>>
        tpu.enqueue_indirect_dma source(%arg9 : memref<128x128xf32, #tpu.memory_space<vmem>>) target(%dma_start3A_116 : memref<10112x128xf32, #tpu.memory_space<vmem_shared>>) offsets(%dma_start3A_113 : memref<128xi32, #tpu.memory_space<vmem>>) semaphore(%run_scoped3A : memref<!tpu.dma_semaphore, #tpu.memory_space<semaphore_mem>>) {add = true}
        %dma_wait3A_117 = arith.constant 0 : i32
        %dma_wait3A_118 = tpu.memref_slice %arg7[%add3A_105, %dma_wait3A_117] : memref<40x128xi32, #tpu.memory_space<vmem>> -> memref<1x128xi32, #tpu.memory_space<vmem>>
        %dma_wait3A_119 = tpu.memref_squeeze %dma_wait3A_118 : memref<1x128xi32, #tpu.memory_space<vmem>> -> memref<128xi32, #tpu.memory_space<vmem>>
        %dma_wait3A_120 = arith.constant 0 : i32
        %dma_wait3A_121 = arith.constant 0 : i32
        %dma_wait3A_122 = tpu.memref_slice %arg10[%dma_wait3A_120, %dma_wait3A_121] : memref<10112x128xf32, #tpu.memory_space<vmem_shared>> -> memref<10112x128xf32, #tpu.memory_space<vmem_shared>>
        tpu.wait_indirect_dma semaphore(%run_scoped3A : memref<!tpu.dma_semaphore, #tpu.memory_space<semaphore_mem>>) src(%arg9 : memref<128x128xf32, #tpu.memory_space<vmem>>) dst(%dma_wait3A_122 : memref<10112x128xf32, #tpu.memory_space<vmem_shared>>)
        tpu.yield
      }) : () -> ()
      %lt3A_106 = arith.constant 19 : i32
      %lt3A_107 = arith.cmpi slt, %add3A_78, %lt3A_106 : i32
      %convert_element_type3A_108 = arith.extui %lt3A_107 : i1 to i32
      %cond3A_109 = arith.constant 0 : i32
      %cond3A_110 = arith.cmpi ne, %convert_element_type3A_108, %cond3A_109 : i32
      scf.if %cond3A_110 {
        %add3A_111 = arith.constant 3 : i32
        %add3A_112 = arith.addi %mul3A_80, %add3A_111 : i32
        %dma_start3A_113 = arith.constant 0 : i32
        %dma_start3A_114 = tpu.memref_slice %arg6[%add3A_112, %dma_start3A_113] : memref<40x128xi32, #tpu.memory_space<vmem>> -> memref<1x128xi32, #tpu.memory_space<vmem>>
        %dma_start3A_115 = tpu.memref_squeeze %dma_start3A_114 : memref<1x128xi32, #tpu.memory_space<vmem>> -> memref<128xi32, #tpu.memory_space<vmem>>
        %dma_start3A_116 = arith.constant 0 : i32
        %dma_start3A_117 = arith.constant 0 : i32
        %dma_start3A_118 = tpu.memref_slice %arg2[%arg0, %dma_start3A_116, %dma_start3A_117] : memref<2x10112x128xf32, #tpu.memory_space<hbm>> -> memref<1x10112x128xf32, #tpu.memory_space<hbm>>
        %dma_start3A_119 = tpu.memref_squeeze %dma_start3A_118 : memref<1x10112x128xf32, #tpu.memory_space<hbm>> -> memref<10112x128xf32, #tpu.memory_space<hbm>>
        %dma_start3A_120 = arith.constant 0 : i32
        %dma_start3A_121 = arith.constant 0 : i32
        %dma_start3A_122 = tpu.memref_slice %dma_start3A_119[%dma_start3A_120, %dma_start3A_121] : memref<10112x128xf32, #tpu.memory_space<hbm>> -> memref<10112x128xf32, #tpu.memory_space<hbm>>
        tpu.enqueue_indirect_dma source(%dma_start3A_122 : memref<10112x128xf32, #tpu.memory_space<hbm>>) target(%arg9 : memref<128x128xf32, #tpu.memory_space<vmem>>) offsets(%dma_start3A_115 : memref<128xi32, #tpu.memory_space<vmem>>) semaphore(%arg12 : memref<!tpu.dma_semaphore, #tpu.memory_space<semaphore_mem>>)
      } else {
      }
    }
    %scan3A_72 = arith.constant 20 : i32
    %barrier3A_73 = arith.constant 0 : index
    tpu.barrier barrier_id(%barrier3A_73)
    "tpu.region"() ({
      %run_scoped3A = tpu.sem_alloc : memref<!tpu.dma_semaphore, #tpu.memory_space<semaphore_mem>>
      %dma_start3A_74 = arith.constant 0 : i32
      %dma_start3A_75 = arith.constant 0 : i32
      %dma_start3A_76 = tpu.memref_slice %arg5[%arg0, %dma_start3A_74, %dma_start3A_75] : memref<2x10112x128xf32, #tpu.memory_space<hbm>> -> memref<1x10112x128xf32, #tpu.memory_space<hbm>>
      %dma_start3A_77 = tpu.memref_squeeze %dma_start3A_76 : memref<1x10112x128xf32, #tpu.memory_space<hbm>> -> memref<10112x128xf32, #tpu.memory_space<hbm>>
      %dma_start3A_78 = arith.constant 0 : i32
      %dma_start3A_79 = tpu.memref_slice %dma_start3A_77[%mul3A_0, %dma_start3A_78] : memref<10112x128xf32, #tpu.memory_space<hbm>> -> memref<632x128xf32, #tpu.memory_space<hbm>>
      %dma_start3A_80 = arith.constant 0 : i32
      %dma_start3A_81 = tpu.memref_slice %arg10[%mul3A_0, %dma_start3A_80] : memref<10112x128xf32, #tpu.memory_space<vmem_shared>> -> memref<632x128xf32, #tpu.memory_space<vmem_shared>>
      tpu.enqueue_dma source(%dma_start3A_81 : memref<632x128xf32, #tpu.memory_space<vmem_shared>>) target(%dma_start3A_79 : memref<632x128xf32, #tpu.memory_space<hbm>>) target_semaphore(%run_scoped3A : memref<!tpu.dma_semaphore, #tpu.memory_space<semaphore_mem>>)
      %dma_wait3A = arith.constant 0 : i32
      %dma_wait3A_82 = arith.constant 0 : i32
      %dma_wait3A_83 = tpu.memref_slice %arg5[%arg0, %dma_wait3A, %dma_wait3A_82] : memref<2x10112x128xf32, #tpu.memory_space<hbm>> -> memref<1x10112x128xf32, #tpu.memory_space<hbm>>
      %dma_wait3A_84 = tpu.memref_squeeze %dma_wait3A_83 : memref<1x10112x128xf32, #tpu.memory_space<hbm>> -> memref<10112x128xf32, #tpu.memory_space<hbm>>
      %dma_wait3A_85 = arith.constant 0 : i32
      %dma_wait3A_86 = tpu.memref_slice %dma_wait3A_84[%mul3A_0, %dma_wait3A_85] : memref<10112x128xf32, #tpu.memory_space<hbm>> -> memref<632x128xf32, #tpu.memory_space<hbm>>
      %dma_wait3A_87 = arith.constant 0 : i32
      %dma_wait3A_88 = tpu.memref_slice %arg10[%mul3A_0, %dma_wait3A_87] : memref<10112x128xf32, #tpu.memory_space<vmem_shared>> -> memref<632x128xf32, #tpu.memory_space<vmem_shared>>
      tpu.wait_dma2 semaphore(%run_scoped3A : memref<!tpu.dma_semaphore, #tpu.memory_space<semaphore_mem>>) src(%dma_wait3A_88 : memref<632x128xf32, #tpu.memory_space<vmem_shared>>) dst(%dma_wait3A_86 : memref<632x128xf32, #tpu.memory_space<hbm>>)
      tpu.yield
    }) : () -> ()
    return
  }
}

module attributes {stable_mosaic.version = 14 : i64} {
  func.func @_mm_body(%arg0: memref<10112x256xf32, #tpu.memory_space<vmem>>, %arg1: memref<256x256xf32, #tpu.memory_space<vmem>>, %arg2: memref<10112x256xf32, #tpu.memory_space<vmem>>) attributes {dimension_semantics = [], scalar_prefetch = 0 : i64, scratch_operands = 0 : i64, tpu.core_type = #tpu.core_type<tc>} {
    %get3A = arith.constant 0 : index
    %get3A_0 = arith.constant 0 : index
    %get3A_1 = vector.load %arg0[%get3A, %get3A_0] : memref<10112x256xf32, #tpu.memory_space<vmem>>, vector<10112x256xf32>
    %get3A_2 = arith.constant 0 : index
    %get3A_3 = arith.constant 0 : index
    %get3A_4 = vector.load %arg1[%get3A_2, %get3A_3] : memref<256x256xf32, #tpu.memory_space<vmem>>, vector<256x256xf32>
    %dot_general3A = arith.constant dense<0.000000e+00> : vector<10112x256xf32>
    %dot_general3A_5 = tpu.matmul %get3A_1, %get3A_4, %dot_general3A {dimension_numbers = #tpu.dot_dimension_numbers<[1], [0], [0], [1], [0, 0, 1, 1], [], []>, transpose_lhs_hint = false} : vector<10112x256xf32>, vector<256x256xf32>, vector<10112x256xf32> -> vector<10112x256xf32>
    %swap3A = arith.constant 0 : index
    %swap3A_6 = arith.constant 0 : index
    %swap3A_7 = vector.load %arg2[%swap3A, %swap3A_6] : memref<10112x256xf32, #tpu.memory_space<vmem>>, vector<10112x256xf32>
    tpu.vector_store %arg2[%swap3A, %swap3A_6], %dot_general3A_5 {strides = array<i32>} : memref<10112x256xf32, #tpu.memory_space<vmem>>, vector<10112x256xf32>,
    return
  }
}

module attributes {stable_mosaic.version = 14 : i64} {
  func.func @_scale_body(%arg0: memref<10112x256xf32, #tpu.memory_space<vmem>>, %arg1: memref<32x10112xf32, #tpu.memory_space<vmem>>, %arg2: memref<2x10112x128xf32, #tpu.memory_space<vmem>>, %arg3: memref<10112xf32, #tpu.memory_space<vmem>>) attributes {dimension_semantics = [], scalar_prefetch = 0 : i64, scratch_operands = 0 : i64, tpu.core_type = #tpu.core_type<tc>} {
    %get3A = arith.constant 0 : index
    %get3A_0 = arith.constant 0 : index
    %get3A_1 = vector.load %arg1[%get3A, %get3A_0] : memref<32x10112xf32, #tpu.memory_space<vmem>>, vector<32x10112xf32>
    %reduce_sum3A = arith.constant dense<0.000000e+00> : vector<10112xf32>
    %reduce_sum3A_2 = vector.multi_reduction <add>, %get3A_1, %reduce_sum3A [0] : vector<32x10112xf32> to vector<10112xf32>
    %add3A = arith.constant 1.000000e+00 : f32
    %add3A_3 = vector.broadcast %add3A : f32 to vector<10112xf32>
    %add3A_4 = arith.addf %reduce_sum3A_2, %add3A_3 : vector<10112xf32>
    %rsqrt3A = math.rsqrt %add3A_4 : vector<10112xf32>
    %swap3A = arith.constant 0 : index
    %swap3A_5 = vector.load %arg3[%swap3A] : memref<10112xf32, #tpu.memory_space<vmem>>, vector<10112xf32>
    tpu.vector_store %arg3[%swap3A], %rsqrt3A {strides = array<i32>} : memref<10112xf32, #tpu.memory_space<vmem>>, vector<10112xf32>,
    %get3A_6 = arith.constant 0 : index
    %get3A_7 = arith.constant 0 : index
    %get3A_8 = vector.load %arg0[%get3A_6, %get3A_7] : memref<10112x256xf32, #tpu.memory_space<vmem>>, vector<10112x256xf32>
    %broadcast_in_dim3A = vector.shape_cast %rsqrt3A : vector<10112xf32> to vector<10112x1xf32>
    %mul3A = vector.broadcast %broadcast_in_dim3A : vector<10112x1xf32> to vector<10112x256xf32>
    %mul3A_9 = arith.mulf %get3A_8, %mul3A : vector<10112x256xf32>
    %slice3A = vector.extract_strided_slice %mul3A_9 {offsets = [0, 0], sizes = [10112, 128], strides = [1, 1]} : vector<10112x256xf32> to vector<10112x128xf32>
    %swap3A_10 = arith.constant 0 : index
    %swap3A_11 = arith.constant 0 : index
    %swap3A_12 = arith.constant 0 : index
    %swap3A_13 = vector.load %arg2[%swap3A_10, %swap3A_11, %swap3A_12] : memref<2x10112x128xf32, #tpu.memory_space<vmem>>, vector<1x10112x128xf32>
    %swap3A_14 = vector.shape_cast %swap3A_13 : vector<1x10112x128xf32> to vector<10112x128xf32>
    %swap3A_15 = vector.shape_cast %slice3A : vector<10112x128xf32> to vector<1x10112x128xf32>
    tpu.vector_store %arg2[%swap3A_10, %swap3A_11, %swap3A_12], %swap3A_15 {strides = array<i32>} : memref<2x10112x128xf32, #tpu.memory_space<vmem>>, vector<1x10112x128xf32>,
    %slice3A_16 = vector.extract_strided_slice %mul3A_9 {offsets = [0, 128], sizes = [10112, 128], strides = [1, 1]} : vector<10112x256xf32> to vector<10112x128xf32>
    %swap3A_17 = arith.constant 1 : index
    %swap3A_18 = arith.constant 0 : index
    %swap3A_19 = arith.constant 0 : index
    %swap3A_20 = vector.load %arg2[%swap3A_17, %swap3A_18, %swap3A_19] : memref<2x10112x128xf32, #tpu.memory_space<vmem>>, vector<1x10112x128xf32>
    %swap3A_21 = vector.shape_cast %swap3A_20 : vector<1x10112x128xf32> to vector<10112x128xf32>
    %swap3A_22 = vector.shape_cast %slice3A_16 : vector<10112x128xf32> to vector<1x10112x128xf32>
    tpu.vector_store %arg2[%swap3A_17, %swap3A_18, %swap3A_19], %swap3A_22 {strides = array<i32>} : memref<2x10112x128xf32, #tpu.memory_space<vmem>>, vector<1x10112x128xf32>,
    return
  }
}

module attributes {stable_mosaic.version = 14 : i64} {
  func.func @_mid_body(%arg0: memref<2x10112x128xf32, #tpu.memory_space<vmem>>, %arg1: memref<2x10112x128xf32, #tpu.memory_space<vmem>>, %arg2: memref<10112xf32, #tpu.memory_space<vmem>>, %arg3: memref<256xf32, #tpu.memory_space<vmem>>, %arg4: memref<256x128xf32, #tpu.memory_space<vmem>>, %arg5: memref<10112x128xf32, #tpu.memory_space<vmem>>) attributes {dimension_semantics = [], scalar_prefetch = 0 : i64, scratch_operands = 0 : i64, tpu.core_type = #tpu.core_type<tc>} {
    %get3A = arith.constant 0 : index
    %get3A_0 = vector.load %arg2[%get3A] : memref<10112xf32, #tpu.memory_space<vmem>>, vector<10112xf32>
    %broadcast_in_dim3A = vector.shape_cast %get3A_0 : vector<10112xf32> to vector<10112x1xf32>
    %get3A_1 = arith.constant 0 : index
    %get3A_2 = arith.constant 0 : index
    %get3A_3 = arith.constant 0 : index
    %get3A_4 = vector.load %arg0[%get3A_1, %get3A_2, %get3A_3] : memref<2x10112x128xf32, #tpu.memory_space<vmem>>, vector<1x10112x128xf32>
    %get3A_5 = vector.shape_cast %get3A_4 : vector<1x10112x128xf32> to vector<10112x128xf32>
    %get3A_6 = arith.constant 0 : index
    %get3A_7 = arith.constant 0 : index
    %get3A_8 = arith.constant 0 : index
    %get3A_9 = vector.load %arg1[%get3A_6, %get3A_7, %get3A_8] : memref<2x10112x128xf32, #tpu.memory_space<vmem>>, vector<1x10112x128xf32>
    %get3A_10 = vector.shape_cast %get3A_9 : vector<1x10112x128xf32> to vector<10112x128xf32>
    %add3A = arith.addf %get3A_5, %get3A_10 : vector<10112x128xf32>
    %mul3A = vector.broadcast %broadcast_in_dim3A : vector<10112x1xf32> to vector<10112x128xf32>
    %mul3A_11 = arith.mulf %add3A, %mul3A : vector<10112x128xf32>
    %get3A_12 = arith.constant 0 : index
    %get3A_13 = vector.load %arg3[%get3A_12] : memref<256xf32, #tpu.memory_space<vmem>>, vector<128xf32>
    %broadcast_in_dim3A_14 = vector.shape_cast %get3A_13 : vector<128xf32> to vector<1x128xf32>
    %add3A_15 = vector.broadcast %broadcast_in_dim3A_14 : vector<1x128xf32> to vector<10112x128xf32>
    %add3A_16 = arith.addf %mul3A_11, %add3A_15 : vector<10112x128xf32>
    %max3A = arith.constant 0.000000e+00 : f32
    %max3A_17 = vector.broadcast %max3A : f32 to vector<10112x128xf32>
    %max3A_18 = arith.maximumf %add3A_16, %max3A_17 : vector<10112x128xf32>
    %get3A_19 = arith.constant 1 : index
    %get3A_20 = arith.constant 0 : index
    %get3A_21 = arith.constant 0 : index
    %get3A_22 = vector.load %arg0[%get3A_19, %get3A_20, %get3A_21] : memref<2x10112x128xf32, #tpu.memory_space<vmem>>, vector<1x10112x128xf32>
    %get3A_23 = vector.shape_cast %get3A_22 : vector<1x10112x128xf32> to vector<10112x128xf32>
    %get3A_24 = arith.constant 1 : index
    %get3A_25 = arith.constant 0 : index
    %get3A_26 = arith.constant 0 : index
    %get3A_27 = vector.load %arg1[%get3A_24, %get3A_25, %get3A_26] : memref<2x10112x128xf32, #tpu.memory_space<vmem>>, vector<1x10112x128xf32>
    %get3A_28 = vector.shape_cast %get3A_27 : vector<1x10112x128xf32> to vector<10112x128xf32>
    %add3A_29 = arith.addf %get3A_23, %get3A_28 : vector<10112x128xf32>
    %mul3A_30 = vector.broadcast %broadcast_in_dim3A : vector<10112x1xf32> to vector<10112x128xf32>
    %mul3A_31 = arith.mulf %add3A_29, %mul3A_30 : vector<10112x128xf32>
    %get3A_32 = arith.constant 128 : index
    %get3A_33 = vector.load %arg3[%get3A_32] : memref<256xf32, #tpu.memory_space<vmem>>, vector<128xf32>
    %broadcast_in_dim3A_34 = vector.shape_cast %get3A_33 : vector<128xf32> to vector<1x128xf32>
    %add3A_35 = vector.broadcast %broadcast_in_dim3A_34 : vector<1x128xf32> to vector<10112x128xf32>
    %add3A_36 = arith.addf %mul3A_31, %add3A_35 : vector<10112x128xf32>
    %max3A_37 = arith.constant 0.000000e+00 : f32
    %max3A_38 = vector.broadcast %max3A_37 : f32 to vector<10112x128xf32>
    %max3A_39 = arith.maximumf %add3A_36, %max3A_38 : vector<10112x128xf32>
    %get3A_40 = arith.constant 0 : index
    %get3A_41 = arith.constant 0 : index
    %get3A_42 = vector.load %arg4[%get3A_40, %get3A_41] : memref<256x128xf32, #tpu.memory_space<vmem>>, vector<128x128xf32>
    %dot_general3A = arith.constant dense<0.000000e+00> : vector<10112x128xf32>
    %dot_general3A_43 = tpu.matmul %max3A_18, %get3A_42, %dot_general3A {dimension_numbers = #tpu.dot_dimension_numbers<[1], [0], [0], [1], [0, 0, 1, 1], [], []>, transpose_lhs_hint = false} : vector<10112x128xf32>, vector<128x128xf32>, vector<10112x128xf32> -> vector<10112x128xf32>
    %get3A_44 = arith.constant 128 : index
    %get3A_45 = arith.constant 0 : index
    %get3A_46 = vector.load %arg4[%get3A_44, %get3A_45] : memref<256x128xf32, #tpu.memory_space<vmem>>, vector<128x128xf32>
    %dot_general3A_47 = arith.constant dense<0.000000e+00> : vector<10112x128xf32>
    %dot_general3A_48 = tpu.matmul %max3A_39, %get3A_46, %dot_general3A_47 {dimension_numbers = #tpu.dot_dimension_numbers<[1], [0], [0], [1], [0, 0, 1, 1], [], []>, transpose_lhs_hint = false} : vector<10112x128xf32>, vector<128x128xf32>, vector<10112x128xf32> -> vector<10112x128xf32>
    %add3A_49 = arith.addf %dot_general3A_43, %dot_general3A_48 : vector<10112x128xf32>
    %mul3A_50 = vector.broadcast %broadcast_in_dim3A : vector<10112x1xf32> to vector<10112x128xf32>
    %mul3A_51 = arith.mulf %add3A_49, %mul3A_50 : vector<10112x128xf32>
    %swap3A = arith.constant 0 : index
    %swap3A_52 = arith.constant 0 : index
    %swap3A_53 = vector.load %arg5[%swap3A, %swap3A_52] : memref<10112x128xf32, #tpu.memory_space<vmem>>, vector<10112x128xf32>
    tpu.vector_store %arg5[%swap3A, %swap3A_52], %mul3A_51 {strides = array<i32>} : memref<10112x128xf32, #tpu.memory_space<vmem>>, vector<10112x128xf32>,
    return
  }
}

module attributes {stable_mosaic.version = 14 : i64} {
  func.func @_fin_body(%arg0: memref<2x10112x128xf32, #tpu.memory_space<vmem>>, %arg1: memref<10112x128xf32, #tpu.memory_space<vmem>>, %arg2: memref<10112xf32, #tpu.memory_space<vmem>>, %arg3: memref<128xf32, #tpu.memory_space<vmem>>, %arg4: memref<10112x128xf32, #tpu.memory_space<vmem>>) attributes {dimension_semantics = [], scalar_prefetch = 0 : i64, scratch_operands = 0 : i64, tpu.core_type = #tpu.core_type<tc>} {
    %get3A = arith.constant 0 : index
    %get3A_0 = vector.load %arg2[%get3A] : memref<10112xf32, #tpu.memory_space<vmem>>, vector<10112xf32>
    %broadcast_in_dim3A = vector.shape_cast %get3A_0 : vector<10112xf32> to vector<10112x1xf32>
    %get3A_1 = arith.constant 0 : index
    %get3A_2 = arith.constant 0 : index
    %get3A_3 = arith.constant 0 : index
    %get3A_4 = vector.load %arg0[%get3A_1, %get3A_2, %get3A_3] : memref<2x10112x128xf32, #tpu.memory_space<vmem>>, vector<1x10112x128xf32>
    %get3A_5 = vector.shape_cast %get3A_4 : vector<1x10112x128xf32> to vector<10112x128xf32>
    %get3A_6 = arith.constant 1 : index
    %get3A_7 = arith.constant 0 : index
    %get3A_8 = arith.constant 0 : index
    %get3A_9 = vector.load %arg0[%get3A_6, %get3A_7, %get3A_8] : memref<2x10112x128xf32, #tpu.memory_space<vmem>>, vector<1x10112x128xf32>
    %get3A_10 = vector.shape_cast %get3A_9 : vector<1x10112x128xf32> to vector<10112x128xf32>
    %add3A = arith.addf %get3A_5, %get3A_10 : vector<10112x128xf32>
    %get3A_11 = arith.constant 0 : index
    %get3A_12 = arith.constant 0 : index
    %get3A_13 = vector.load %arg1[%get3A_11, %get3A_12] : memref<10112x128xf32, #tpu.memory_space<vmem>>, vector<10112x128xf32>
    %add3A_14 = arith.addf %add3A, %get3A_13 : vector<10112x128xf32>
    %mul3A = vector.broadcast %broadcast_in_dim3A : vector<10112x1xf32> to vector<10112x128xf32>
    %mul3A_15 = arith.mulf %add3A_14, %mul3A : vector<10112x128xf32>
    %get3A_16 = arith.constant 0 : index
    %get3A_17 = vector.load %arg3[%get3A_16] : memref<128xf32, #tpu.memory_space<vmem>>, vector<128xf32>
    %broadcast_in_dim3A_18 = vector.shape_cast %get3A_17 : vector<128xf32> to vector<1x128xf32>
    %add3A_19 = vector.broadcast %broadcast_in_dim3A_18 : vector<1x128xf32> to vector<10112x128xf32>
    %add3A_20 = arith.addf %mul3A_15, %add3A_19 : vector<10112x128xf32>
    %swap3A = arith.constant 0 : index
    %swap3A_21 = arith.constant 0 : index
    %swap3A_22 = vector.load %arg4[%swap3A, %swap3A_21] : memref<10112x128xf32, #tpu.memory_space<vmem>>, vector<10112x128xf32>
    tpu.vector_store %arg4[%swap3A, %swap3A_21], %add3A_20 {strides = array<i32>} : memref<10112x128xf32, #tpu.memory_space<vmem>>, vector<10112x128xf32>,
    return
  }
}

</mosaic_0001>

<sc_bundles>
// kernel: kernel.12.cloned.1.call-start
scs
__scs_entry_jumppad:
0x0: {  	(pc) =	sbr.rel $0x88, $3  }
0x1: {  	(tag) =	ssettag $0x0;
	lr =	simm.s32 $0x1  }
0x2: {  	[smem:$0x3F9B] =	sst lr;
	_ =	strace $0xD0000000  }
0x3: {  	_ = 	snop  }
0x4: {  	_ = 	snop  }
0x5: {  	_ = 	snop  }
0x6: {  	_ = 	snop  }
0x7: {  	_ = 	snop  }
__scs_overlays_trampoline_lowered:
0x8: {  	[smem:$0x3FAA] =	sst s0  }
0x9: {  	[smem:$0x3FAB] =	sst s1  }
0xa: {  	[smem:$0x3FAC] =	sst s2  }
0xb: {  	[smem:$0x3FAD] =	sst s3  }
0xc: {  	[smem:$0x3FAE] =	sst s4  }
0xd: {  	[smem:$0x3FAF] =	sst s5  }
0xe: {  	[smem:$0x3FB0] =	sst s6  }
0xf: {  	[smem:$0x3FB1] =	sst s7  }
0x10: {  	[smem:$0x3FB2] =	sst s8  }
0x11: {  	[smem:$0x3FB3] =	sst s9;
	s0 =	simm.s32 @!p0 $0x0  }
0x12: {  	s1 =	sld [smem:$0x3F99];
	s0 =	simm.s32 @p0 $0x1  }
0x13: {  	[smem:$0x3FB4] =	sst s0;
	s0 =	simm.s32 @!p1 $0x0  }
0x14: {  	s2 =	sld [smem:$0x3F98];
	s0 =	simm.s32 @p1 $0x1  }
0x15: {  	[smem:$0x3FB5] =	sst s0;
	s0 =	simm.s32 @!p2 $0x0  }
0x16: {  	s3 =	sld [smem:$0x3FDB];
	s0 =	simm.s32 @p2 $0x1  }
0x17: {  	s4 =	simm.s32 $0x1BF5;
	[smem:$0x3FB7] =	sst s0  }
0x18: {  	s0 =	sld [smem:$0x3F9A];
	_ =	swait.ge [sflag:s4], $0x0  }
0x19: {  	s7 =	sld [smem:$0x3F9B]  }
0x1a: {  	s8 =	sadd.s32 $0xFFFFE003, lr  }
0x1b: {  	s9 =	sadd.s32 $0xFFFFFEF7, lr;
	s5 =	simm.s32 $0xFFFFFFFF;
	p2 =	slt.u32 s8, $0xFFFFF086  }
0x1c: {  	p1 =	slt.u32 s9, $0xF7A;
	s5 =	simm.s32 @!p2 $0x0  }
0x1d: {  	s5 =	simm.s32 @p1 $0x1;
	p0 =	seq.s32 s7, s2  }
0x1e: {  	s7 =	smul.u32 @!p0 $0xF7A, s2;
	p2 =	seq.s32 @!p0 s5, $0x0  }
0x1f: {  	s9 =	smul.u32 $0xF7A, s1;
	s8 =	simm.s32 @!p0 $0x1BF5;
	p2 =	por !p2, p0  }
0x20: {  	[sflag:s8] =	ssyncset.s32 @!p0 $0xFFFFF086;
	s6 =	sadd.s32 @!p0 s3, s7;
	s7 =	simm.s32 @!p0 $0x108  }
0x21: {  	s3 =	sadd.s32 s3, s9;
	s6 =	sadd.s32 @!p0 $0x88, s6;
	s7 =	simm.s32 @p2 $0x1082  }
0x22: {  	[simem:s7], [sflag:s8] =	dma.local @!p0 [hbm:s6], $0xF7A  }
0x23: {  	s9 =	sor.u32 $0xD0000000, s2;
	s6 =	simm.s32 $0x108;
	_ =	swait.ge @!p0 [sflag:s8], $0x0  }
0x24: {  	s3 =	sadd.s32 $0x88, s3;
	s6 =	simm.s32 @!p1 $0x1082;
	[sflag:s4] =	ssyncset.s32 $0xFFFFF086  }
0x25: {  	[simem:s6], [sflag:s4] =	dma.local [hbm:s3], $0xF7A  }
0x26: {  	[smem:$0x3F9B] =	sst s1;
	(tag) =	ssettag s2;
	_ =	strace s9  }
0x27: {  	s1 =	sld [smem:$0x3FAB]  }
0x28: {  	s2 =	sld [smem:$0x3FAC]  }
0x29: {  	s4 =	sld [smem:$0x3FAE]  }
0x2a: {  	p0 =	seq.s32 s5, $0x0;
	s5 =	sld [smem:$0x3FAF]  }
0x2b: {  	s6 =	sld [smem:$0x3FB0]  }
0x2c: {  	s7 =	sld [smem:$0x3FB1]  }
0x2d: {  	s3 =	simm.s32 $0x108;
	s8 =	sld [smem:$0x3FB2]  }
0x2e: {  	s3 =	simm.s32 @!p0 $0x1082;
	s9 =	sld [smem:$0x3FB3]  }
0x2f: {  	lr =	sadd.s32 s0, s3;
	s0 =	sld [smem:$0x3FAA]  }
0x30: {  	s3 =	sld [smem:$0x3FAD]  }
0x31: {  	[smem:$0x3FB6] =	sst s10  }
0x32: {  	s10 =	sld [smem:$0x3FB4];
	_ =	sdelay $0x3  }
0x33: {  	p0 =	seq.s32 s10, $0x1;
	s10 =	sld [smem:$0x3FB6];
	_ =	sdelay $0x3  }
0x34: {  	[smem:$0x3FB6] =	sst s10  }
0x35: {  	s10 =	sld [smem:$0x3FB5];
	_ =	sdelay $0x3  }
0x36: {  	p1 =	seq.s32 s10, $0x1;
	s10 =	sld [smem:$0x3FB6];
	_ =	sdelay $0x3  }
0x37: {  	[smem:$0x3FB6] =	sst s10  }
0x38: {  	s10 =	sld [smem:$0x3FB7]  }
0x39: {  	_ = 	snop;
	(pc) =	sbr.ind lr, $3  }
0x3a: {  	_ = 	snop  }
0x3b: {  	_ = 	snop  }
0x3c: {  	p2 =	seq.s32 s10, $0x1;
	s10 =	sld [smem:$0x3FB6]  }
0x3d: {  	_ =	shalt  }
0x3e: {  	_ =	shalt  }
0x3f: {  	_ =	shalt  }
0x40: {  	_ =	shalt  }
0x41: {  	_ =	shalt  }
0x42: {  	_ =	shalt  }
0x43: {  	_ =	shalt  }
0x44: {  	_ =	shalt  }
0x45: {  	_ =	shalt  }
0x46: {  	_ =	shalt  }
0x47: {  	_ =	shalt  }
0x48: {  	_ =	shalt  }
0x49: {  	_ =	shalt  }
0x4a: {  	_ =	shalt  }
0x4b: {  	_ =	shalt  }
0x4c: {  	_ =	shalt  }
0x4d: {  	_ =	shalt  }
0x4e: {  	_ =	shalt  }
0x4f: {  	_ =	shalt  }
0x50: {  	_ =	shalt  }
0x51: {  	_ =	shalt  }
0x52: {  	_ =	shalt  }
0x53: {  	_ =	shalt  }
0x54: {  	_ =	shalt  }
0x55: {  	_ =	shalt  }
0x56: {  	_ =	shalt  }
0x57: {  	_ =	shalt  }
0x58: {  	_ =	shalt  }
0x59: {  	_ =	shalt  }
0x5a: {  	_ =	shalt  }
0x5b: {  	_ =	shalt  }
0x5c: {  	_ =	shalt  }
0x5d: {  	_ =	shalt  }
0x5e: {  	_ =	shalt  }
0x5f: {  	_ =	shalt  }
0x60: {  	_ =	shalt  }
0x61: {  	_ =	shalt  }
0x62: {  	_ =	shalt  }
0x63: {  	_ =	shalt  }
0x64: {  	_ =	shalt  }
0x65: {  	_ =	shalt  }
0x66: {  	_ =	shalt  }
0x67: {  	_ =	shalt  }
0x68: {  	_ =	shalt  }
0x69: {  	_ =	shalt  }
0x6a: {  	_ =	shalt  }
0x6b: {  	_ =	shalt  }
0x6c: {  	_ =	shalt  }
0x6d: {  	_ =	shalt  }
0x6e: {  	_ =	shalt  }
0x6f: {  	_ =	shalt  }
0x70: {  	_ =	shalt  }
0x71: {  	_ =	shalt  }
0x72: {  	_ =	shalt  }
0x73: {  	_ =	shalt  }
0x74: {  	_ =	shalt  }
0x75: {  	_ =	shalt  }
0x76: {  	_ =	shalt  }
0x77: {  	_ =	shalt  }
0x78: {  	_ =	shalt  }
0x79: {  	_ =	shalt  }
0x7a: {  	_ =	shalt  }
0x7b: {  	_ =	shalt  }
0x7c: {  	_ =	shalt  }
0x7d: {  	_ =	shalt  }
0x7e: {  	_ =	shalt  }
0x7f: {  	_ =	shalt  }
0x80: {  	_ =	shalt  }
0x81: {  	_ =	shalt  }
0x82: {  	_ =	shalt  }
0x83: {  	_ =	shalt  }
0x84: {  	_ =	shalt  }
0x85: {  	_ =	shalt  }
0x86: {  	_ =	shalt  }
0x87: {  	_ =	shalt  }
.Lfunc_end0:
.L_simem_size_0:
called_computation.1_lowered:
.L_overlay_start_0:
0x88: {  	s2 =	sld [smem:$0x3FD9]  }
0x89: {  	s3 =	sld [smem:$0x3FFE];
	_ =	sdelay $0x1  }
0x8a: {  	s1 =	srdreg.scid  }
0x8b: {  	s0 =	sand.u32 $0x1, s1  }
0x8c: {  	s16 =	sshll.u32 s0, $0xA;
	s2 =	sadd.s32 s3, s2  }
0x8d: {  	s2 =	sadd.s32 s2, s16  }
0x8e: {  	[smem:$0x3FC2] =	sst s2  }
0x8f: {  	_ = 	snop  }
0x90: {  	(tm) =	ssettm $0x1  }
0x91: {  	s17 =	sld [smem:$0x3FFB];
	_ =	sdelay $0x3  }
0x92: {  	_ =	strace s17  }
0x93: {  	s2 =	sld [smem:$0x3FFC];
	_ =	sdelay $0x3  }
0x94: {  	_ =	strace s2  }
0x95: {  	s2 =	sld [smem:$0x3FFD];
	_ =	sdelay $0x3  }
0x96: {  	_ =	strace s2  }
0x97: {  	_ =	strace $0x8FFFFFFF  }
0x98: {  	s18 =	sld [smem:$0x3FDB];
	_ =	sdelay $0x1  }
0x99: {  	s19 =	simm.s32 $_scs_section_size  }
0x9a: {  	s4 =	simm.s32 $_size__tile_overlayer_lowered;
	s5 =	simm.s32 $_tile_overlayer_lowered  }
0x9b: {  	s22 =	simm.s32 $0x1BFF;
	s21 =	sshll.u32 s5, $0x1;
	s2 =	sadd.s32 s19, s18  }
0x9c: {  	s6 =	simm.s32 $0x0;
	s20 =	sshll.u32 s4, $0x1;
	s4 =	sadd.s32 s21, s2  }
0x9d: {  	[timem:s6], [sflag:s22] =	dma.local [hbm:s4], s20  }
0x9e: {  	_ =	swait.ge [sflag:s22], s20  }
0x9f: {  	s3 =	ssub.s32 $0x0, s20;
	[sflag:s22] =	ssyncset.done $0x0  }
0xa0: {  	[sflag:s22] =	ssyncadd.s32 s3;
	_ =	sdelay $0x1  }
0xa1: {  	s23 =	simm.s32 $0x1B8B  }
0xa2: {  	_ =	swait.ge [sflag:s23], $0x1  }
0xa3: {  	[sflag:s23] =	ssyncset.done $0x0  }
0xa4: {  	s25 =	simm.s32 $0x1B8E;
	s24 =	sld [smem:$0x3FFE];
	[sflag:s23] =	ssyncadd.s32 $0xFFFFFFFF  }
0xa5: {  	s26 =	simm.s32 $execute0_lowered;
	[smem:$0x3FD2] =	sst s25  }
0xa6: {  	s4 =	sshll.u32 s26, $0x1;
	_ =	strace $0x80000049;
	[dreg:$0x1] =	wrdreg $0xFFFFFFFF  }
0xa7: {  	s28 =	simm.s32 $_size_execute0_lowered;
	s2 =	sadd.s32 s2, s4;
	[dreg:$0x0] =	wrdreg $0x0  }
0xa8: {  	s4 =	sshll.u32 s28, $0x1;
	[dreg:$0x2] =	wrdreg s2  }
0xa9: {  	[dreg:$0x3] =	wrdreg s4  }
0xaa: {  	[dreg:$0x4] =	wrdreg $0xC0  }
0xab: {  	_ =	task [dreg:s6], $0x5FFFF  }
0xac: {  	[dreg:$0x1] =	wrdreg $0xFFFFFFFF  }
0xad: {  	[dreg:$0x0] =	wrdreg $0x60  }
0xae: {  	[dreg:$0x2] =	wrdreg s24  }
0xaf: {  	[dreg:$0x3] =	wrdreg $0xA8000  }
0xb0: {  	[dreg:$0x4] =	wrdreg $0x9  }
0xb1: {  	_ =	task.clear_ibuf [dreg:s6], $0x5FFFF;
	_ =	strace $0x90000049  }
0xb2: {  	s29 =	simm.s32 $0x9;
	_ =	strace $0x8000004B  }
0xb3: {  	_ =	swait.ge [sflag:s29], $0x1  }
0xb4: {  	[sflag:s29] =	ssyncadd.s32 $0xFFFFFFFF  }
0xb5: {  	_ =	strace $0x9000004B  }
0xb6: {  	_ =	sfence  }
0xb7: {  	s30 =	sld [smem:$0x0];
	_ =	sdelay $0x2  }
0xb8: {  	s31 =	sshll.u32 s1, $0xD;
	s1 =	sshrl.u32 s1, $0x2  }
0xb9: {  	s3 =	sand.u32 $0x4000, s31;
	s1 =	sadd.s32 s1, s30  }
0xba: {  	s0 =	sor.u32 s3, s0;
	s1 =	sshll.u32 s1, $0x11  }
0xbb: {  	s0 =	sor.u32 s1, s0  }
0xbc: {  	s0 =	sadd.s32 $0x8F2B, s0  }
0xbd: {  	[sflag:s0] =	ssyncadd.remote.s32 $0x1  }
0xbe: {  	_ =	sfence.sel $0xFFFF  }
0xbf: {  	[dreg:$0x0] =	wrdreg $0xFFFFFFFF;
	(pc) =	sbr.abs _section_cstart, $3  }
0xc0: {  	[dreg:$0x1] =	wrdreg $0xFFFFFFFF  }
0xc1: {  	_ =	task.clear_ibuf [dreg:s6], $0x2FFFF;
	_ =	strace $0x9FFFFFFF  }
0xc2: {  	(tm) =	ssettm $0x7FFFFFFF  }
0xc3: {  	_ =	shalt  }
tec
execute0_lowered:
.L_overlay_start_1:
0x0: {  	(tag) =	ssettag $0x1  }
0x1: {  	s4 =	rddreg [dreg:$0x0]  }
0x2: {  	s1 =	rddreg [dreg:$0x1]  }
0x3: {  	s0 =	rddreg [dreg:$0x2]  }
0x4: {  	s2 =	simm.s32 $0x0;
	s3 =	srdreg.scid;
	s17 =	simm.s32 $0x1400  }
0x5: {  	s18 =	simm.s32 $0x80;
	s19 =	simm.s32 $0x6800;
	s5 =	sand.u32 $0x1, s3  }
0x6: {  	s20 =	simm.s32 $0x1;
	s3 =	stileid.u32;
	s6 =	smul.u32 $0x27800, s5  }
0x7: {  	s21 =	simm.s32 $0x2;
	s22 =	simm.s32 $0x2700;
	s7 =	smul.u32 $0x4F000, s3  }
0x8: {  	s23 =	simm.s32 $0x2780;
	[smem:$0x7FF] =	sst s2;
	s10 =	smul.u32 $0x500, s3  }
0x9: {  	s12 =	sadd.s32 $0x1E00, s4;
	s13 =	sadd.s32 $0x6E00, s4;
	s11 =	smul.u32 $0x2800, s3  }
0xa: {  	_ =	strace $0x8000004A;
	s30 =	ssub.s32 $0x2, s5;
	s25 =	smul.u32 $0x2780, s3  }
0xb: {  	s5 =	sshrl.u32 s30, $0x1;
	s14 =	sadd.s32 s6, s4;
	s31 =	sshrl.u32 s7, $0x2  }
0xc: {  	s15 =	ssub.s32 s30, s5;
	s9 =	sadd.s32 s12, s10;
	s16 =	sshrl.u32 s11, $0x3  }
0xd: {  	s10 =	sadd.s32 s13, s10;
	s4 =	sadd.s32 s31, s1;
	s11 =	sadd.s32 $0xBE00, s14  }
0xe: {  	s16 =	sadd.s32 $0x280, s16;
	s24 =	sadd.s32 $0x5AE00, s14;
	s14 =	smax.u32 s15, $0x1  }
0xf: {  	s15 =	simm.s32 $0x2800;
	s5 =	sadd.s32 $0x4000, s4;
	s6 =	sadd.s32 $0x8000, s4  }
0x10: {  	s7 =	sadd.s32 $0xC000, s4;
	s8 =	sadd.s32 $0x10000, s4;
	s12 =	sadd.s32 s12, s16  }
0x11: {  	v0 =	vimm.f32 $0.0e+00;
	s13 =	sadd.s32 s13, s16;
	s16 =	simm.s32 $0x3;
	s24 =	sadd.s32 s25, s24  }
.LBB2_1:
0x12: {  	s25 =	simm.s32 $0x0;
	s26 =	simm.s32 $0x200  }
.LBB2_2:
0x13: {  	p0 =	sne.s32 s26, $0xFE00;
	[tilespmem:s25+$0x2870] =	vst v0  }
0x14: {  	[tilespmem:s25+$0x2800] =	vst v0  }
0x15: {  	[tilespmem:s25+$0x2810] =	vst v0  }
.Ltmp0:
0x16: {  	[tilespmem:s25+$0x2820] =	vst v0;
	(pc) =	sbr.rel @p0 .LBB2_2-.Ltmp0, $4  }
0x17: {  	[tilespmem:s25+$0x2830] =	vst v0  }
0x18: {  	[tilespmem:s25+$0x2840] =	vst v0  }
0x19: {  	[tilespmem:s25+$0x2850] =	vst v0  }
0x1a: {  	[tilespmem:s25+$0x2860] =	vst v0;
	s25 =	sshra.s32 s26, $0x2;
	s26 =	sadd.s32 $0x200, s26  }
0x1b: {  	[tilespmem:s25+$0x2870] =	vst v0  }
0x1c: {  	[tilespmem:s25+$0x2800] =	vst v0  }
0x1d: {  	[tilespmem:s25+$0x2810] =	vst v0  }
0x1e: {  	[tilespmem:s25+$0x2820] =	vst v0  }
0x1f: {  	[tilespmem:s25+$0x2830] =	vst v0  }
0x20: {  	[tilespmem:s25+$0x2840] =	vst v0  }
0x21: {  	[tilespmem:s25+$0x2850] =	vst v0  }
0x22: {  	[tilespmem:s25+$0x2860] =	vst v0  }
0x23: {  	[spmem:s4] =	stream.linear.scatter [tilespmem:s15], [sflag:$0x3], $0x4000, $0x38;
	[tilespmem:$0x1E400] =	vst v63  }
0x24: {  	_ =	swait.ge [sflag:s16], $0x4000  }
0x25: {  	[sflag:s16] =	ssyncset.done $0x0  }
0x26: {  	[sflag:s16] =	ssyncadd.s32 $0xFFFFC000  }
0x27: {  	[spmem:s5] =	stream.linear.scatter [tilespmem:s15], [sflag:$0x3], $0x4000, $0x38;
	[tilespmem:$0x1E400] =	vst v63  }
0x28: {  	_ =	swait.ge [sflag:s16], $0x4000  }
0x29: {  	[sflag:s16] =	ssyncset.done $0x0  }
0x2a: {  	[sflag:s16] =	ssyncadd.s32 $0xFFFFC000  }
0x2b: {  	[spmem:s6] =	stream.linear.scatter [tilespmem:s15], [sflag:$0x3], $0x4000, $0x38;
	[tilespmem:$0x1E400] =	vst v63  }
0x2c: {  	_ =	swait.ge [sflag:s16], $0x4000  }
0x2d: {  	[sflag:s16] =	ssyncset.done $0x0  }
0x2e: {  	[sflag:s16] =	ssyncadd.s32 $0xFFFFC000  }
0x2f: {  	[spmem:s7] =	stream.linear.scatter [tilespmem:s15], [sflag:$0x3], $0x4000, $0x38;
	[tilespmem:$0x1E400] =	vst v63  }
0x30: {  	_ =	swait.ge [sflag:s16], $0x4000  }
0x31: {  	[sflag:s16] =	ssyncset.done $0x0  }
0x32: {  	[sflag:s16] =	ssyncadd.s32 $0xFFFFC000  }
0x33: {  	[spmem:s8] =	stream.linear.scatter [tilespmem:s15], [sflag:$0x3], $0x3C00, $0x38;
	[tilespmem:$0x1E400] =	vst v63  }
0x34: {  	_ =	swait.ge [sflag:s16], $0x3C00  }
0x35: {  	[sflag:s16] =	ssyncset.done $0x0  }
0x36: {  	[sflag:s16] =	ssyncadd.s32 $0xFFFFC400  }
0x37: {  	s28 =	simm.s32 $0x0;
	[bflag:$0x0] =	sbarrier.arrive $0xFFFF  }
0x38: {  	[tilespmem:s28], [sflag:$0x3] =	stream.linear.gather [hbm4b:s9+s28], $0x1400, $0x38;
	[tilespmem:$0x1E400] =	vst v63  }
0x39: {  	_ =	swait.ge [sflag:s16], $0x1400  }
0x3a: {  	[sflag:s16] =	ssyncset.done $0x0  }
0x3b: {  	[sflag:s16] =	ssyncadd.s32 $0xFFFFEC00  }
0x3c: {  	[tilespmem:s17], [sflag:$0x3] =	stream.linear.gather [hbm4b:s10+s28], $0x1400, $0x38;
	[tilespmem:$0x1E400] =	vst v63  }
0x3d: {  	_ =	swait.ge [sflag:s16], $0x1400  }
0x3e: {  	[sflag:s16] =	ssyncset.done $0x0  }
0x3f: {  	[sflag:s16] =	ssyncadd.s32 $0xFFFFEC00  }
0x40: {  	[tilespmem:s15], [sflag:$0x1] =	stream.indirect.gather [hbm4b:s11+s18], $0x80, s28, s18, $0xb8;
	[tilespmem:$0x1E400] =	vst v63  }
0x41: {  	_ = 	snop  }
0x42: {  	[tilespmem:s19], [sflag:$0x2] =	stream.indirect.gather [hbm4b:s11+s18], $0x80, s18, s18, $0xb8;
	[tilespmem:$0x1E400] =	vst v63  }
0x43: {  	_ =	swait.ge [sflag:s20], $0x4000  }
0x44: {  	[sflag:s20] =	ssyncset.done $0x0  }
0x45: {  	s29 =	simm.s32 $0x1400;
	[sflag:s20] =	ssyncadd.s32 $0xFFFFC000  }
0x46: {  	[spmem:s1] =	stream.indirect.scatter.add.f32 [tilespmem:s15], [sflag:$0x3], $0x80, s29, s18, $0xb8;
	[tilespmem:$0x1E400] =	vst v63  }
0x47: {  	_ =	swait.ge [sflag:s16], $0x4000  }
0x48: {  	[sflag:s16] =	ssyncset.done $0x0  }
0x49: {  	s30 =	simm.s32 $0x100;
	[sflag:s16] =	ssyncadd.s32 $0xFFFFC000  }
0x4a: {  	[tilespmem:s15], [sflag:$0x1] =	stream.indirect.gather [hbm4b:s11+s18], $0x80, s30, s18, $0xb8;
	[tilespmem:$0x1E400] =	vst v63  }
0x4b: {  	_ =	swait.ge [sflag:s21], $0x4000  }
0x4c: {  	[sflag:s21] =	ssyncset.done $0x0  }
0x4d: {  	s31 =	simm.s32 $0x1480;
	[sflag:s21] =	ssyncadd.s32 $0xFFFFC000  }
0x4e: {  	[spmem:s1] =	stream.indirect.scatter.add.f32 [tilespmem:s19], [sflag:$0x3], $0x80, s31, s18, $0xb8;
	[tilespmem:$0x1E400] =	vst v63  }
0x4f: {  	_ =	swait.ge [sflag:s16], $0x4000  }
0x50: {  	[sflag:s16] =	ssyncset.done $0x0  }
0x51: {  	s25 =	simm.s32 $0x400;
	s26 =	simm.s32 $0x180;
	[sflag:s16] =	ssyncadd.s32 $0xFFFFC000  }
.LBB2_4:
0x52: {  	[tilespmem:s19], [sflag:$0x2] =	stream.indirect.gather [hbm4b:s11+s18], $0x80, s26, s18, $0xb8;
	[tilespmem:$0x1E400] =	vst v63  }
0x53: {  	s26 =	smov.u32 s25  }
0x54: {  	p0 =	sne.s32 s25, $0x4800;
	s25 =	sadd.s32 $0x400, s25;
	_ =	swait.ge [sflag:s20], $0x4000  }
0x55: {  	s26 =	sshra.s32 s26, $0x2;
	[sflag:s20] =	ssyncset.done $0x0  }
0x56: {  	s28 =	sadd.s32 $0x1400, s26;
	[sflag:s20] =	ssyncadd.s32 $0xFFFFC000  }
0x57: {  	[spmem:s1] =	stream.indirect.scatter.add.f32 [tilespmem:s15], [sflag:$0x3], $0x80, s28, s18, $0xb8;
	[tilespmem:$0x1E400] =	vst v63  }
0x58: {  	_ =	swait.ge [sflag:s16], $0x4000  }
0x59: {  	[sflag:s16] =	ssyncset.done $0x0  }
0x5a: {  	s28 =	sadd.s32 $0x100, s26;
	[sflag:s16] =	ssyncadd.s32 $0xFFFFC000  }
0x5b: {  	[tilespmem:s15], [sflag:$0x1] =	stream.indirect.gather [hbm4b:s11+s18], $0x80, s28, s18, $0xb8;
	[tilespmem:$0x1E400] =	vst v63  }
0x5c: {  	_ =	swait.ge [sflag:s21], $0x4000  }
0x5d: {  	[sflag:s21] =	ssyncset.done $0x0  }
.Ltmp1:
0x5e: {  	s28 =	sadd.s32 $0x1480, s26;
	[sflag:s21] =	ssyncadd.s32 $0xFFFFC000;
	(pc) =	sbr.rel @p0 .LBB2_4-.Ltmp1, $4  }
0x5f: {  	[spmem:s1] =	stream.indirect.scatter.add.f32 [tilespmem:s19], [sflag:$0x3], $0x80, s28, s18, $0xb8;
	[tilespmem:$0x1E400] =	vst v63  }
0x60: {  	_ =	swait.ge [sflag:s16], $0x4000  }
0x61: {  	[sflag:s16] =	ssyncset.done $0x0  }
0x62: {  	s26 =	sadd.s32 $0x180, s26;
	[sflag:s16] =	ssyncadd.s32 $0xFFFFC000  }
0x63: {  	[tilespmem:s19], [sflag:$0x2] =	stream.indirect.gather [hbm4b:s11+s18], $0x80, s26, s18, $0xb8;
	[tilespmem:$0x1E400] =	vst v63  }
0x64: {  	_ =	swait.ge [sflag:s20], $0x4000  }
0x65: {  	[sflag:s20] =	ssyncset.done $0x0  }
0x66: {  	[sflag:s20] =	ssyncadd.s32 $0xFFFFC000  }
0x67: {  	[spmem:s1] =	stream.indirect.scatter.add.f32 [tilespmem:s15], [sflag:$0x3], $0x80, s22, s18, $0xb8;
	[tilespmem:$0x1E400] =	vst v63  }
0x68: {  	_ =	swait.ge [sflag:s16], $0x4000  }
0x69: {  	[sflag:s16] =	ssyncset.done $0x0  }
0x6a: {  	[sflag:s16] =	ssyncadd.s32 $0xFFFFC000  }
0x6b: {  	_ =	swait.ge [sflag:s21], $0x4000  }
0x6c: {  	[sflag:s21] =	ssyncset.done $0x0  }
0x6d: {  	[sflag:s21] =	ssyncadd.s32 $0xFFFFC000  }
0x6e: {  	[spmem:s1] =	stream.indirect.scatter.add.f32 [tilespmem:s19], [sflag:$0x3], $0x80, s23, s18, $0xb8;
	[tilespmem:$0x1E400] =	vst v63  }
0x6f: {  	_ =	swait.ge [sflag:s16], $0x4000  }
0x70: {  	[sflag:s16] =	ssyncset.done $0x0  }
0x71: {  	s25 =	simm.s32 $0x0;
	[sflag:s16] =	ssyncadd.s32 $0xFFFFC000  }
0x72: {  	[tilespmem:s25], [sflag:$0x3] =	stream.linear.gather [hbm4b:s12+s25], $0x1400, $0x38;
	[tilespmem:$0x1E400] =	vst v63  }
0x73: {  	_ =	swait.ge [sflag:s16], $0x1400  }
0x74: {  	[sflag:s16] =	ssyncset.done $0x0  }
0x75: {  	[sflag:s16] =	ssyncadd.s32 $0xFFFFEC00  }
0x76: {  	[tilespmem:s17], [sflag:$0x3] =	stream.linear.gather [hbm4b:s13+s25], $0x1400, $0x38;
	[tilespmem:$0x1E400] =	vst v63  }
0x77: {  	_ =	swait.ge [sflag:s16], $0x1400  }
0x78: {  	[sflag:s16] =	ssyncset.done $0x0  }
0x79: {  	[sflag:s16] =	ssyncadd.s32 $0xFFFFEC00  }
0x7a: {  	[tilespmem:s15], [sflag:$0x1] =	stream.indirect.gather [hbm4b:s11+s18], $0x80, s25, s18, $0xb8;
	[tilespmem:$0x1E400] =	vst v63  }
0x7b: {  	_ = 	snop  }
0x7c: {  	[tilespmem:s19], [sflag:$0x2] =	stream.indirect.gather [hbm4b:s11+s18], $0x80, s18, s18, $0xb8;
	[tilespmem:$0x1E400] =	vst v63  }
0x7d: {  	_ =	swait.ge [sflag:s20], $0x4000  }
0x7e: {  	[sflag:s20] =	ssyncset.done $0x0  }
0x7f: {  	s29 =	simm.s32 $0x1400;
	[sflag:s20] =	ssyncadd.s32 $0xFFFFC000  }
0x80: {  	[spmem:s1] =	stream.indirect.scatter.add.f32 [tilespmem:s15], [sflag:$0x3], $0x80, s29, s18, $0xb8;
	[tilespmem:$0x1E400] =	vst v63  }
0x81: {  	_ =	swait.ge [sflag:s16], $0x4000  }
0x82: {  	[sflag:s16] =	ssyncset.done $0x0  }
0x83: {  	s30 =	simm.s32 $0x100;
	[sflag:s16] =	ssyncadd.s32 $0xFFFFC000  }
0x84: {  	[tilespmem:s15], [sflag:$0x1] =	stream.indirect.gather [hbm4b:s11+s18], $0x80, s30, s18, $0xb8;
	[tilespmem:$0x1E400] =	vst v63  }
0x85: {  	_ =	swait.ge [sflag:s21], $0x4000  }
0x86: {  	[sflag:s21] =	ssyncset.done $0x0  }
0x87: {  	s31 =	simm.s32 $0x1480;
	[sflag:s21] =	ssyncadd.s32 $0xFFFFC000  }
0x88: {  	[spmem:s1] =	stream.indirect.scatter.add.f32 [tilespmem:s19], [sflag:$0x3], $0x80, s31, s18, $0xb8;
	[tilespmem:$0x1E400] =	vst v63  }
0x89: {  	_ =	swait.ge [sflag:s16], $0x4000  }
0x8a: {  	[sflag:s16] =	ssyncset.done $0x0  }
0x8b: {  	s26 =	simm.s32 $0x180;
	s25 =	simm.s32 $0x400;
	[sflag:s16] =	ssyncadd.s32 $0xFFFFC000  }
.LBB2_6:
0x8c: {  	[tilespmem:s19], [sflag:$0x2] =	stream.indirect.gather [hbm4b:s11+s18], $0x80, s26, s18, $0xb8;
	[tilespmem:$0x1E400] =	vst v63  }
0x8d: {  	s26 =	smov.u32 s25  }
0x8e: {  	p0 =	sne.s32 s25, $0x4800;
	s25 =	sadd.s32 $0x400, s25;
	_ =	swait.ge [sflag:s20], $0x4000  }
0x8f: {  	s26 =	sshra.s32 s26, $0x2;
	[sflag:s20] =	ssyncset.done $0x0  }
0x90: {  	s28 =	sadd.s32 $0x1400, s26;
	[sflag:s20] =	ssyncadd.s32 $0xFFFFC000  }
0x91: {  	[spmem:s1] =	stream.indirect.scatter.add.f32 [tilespmem:s15], [sflag:$0x3], $0x80, s28, s18, $0xb8;
	[tilespmem:$0x1E400] =	vst v63  }
0x92: {  	_ =	swait.ge [sflag:s16], $0x4000  }
0x93: {  	[sflag:s16] =	ssyncset.done $0x0  }
0x94: {  	s28 =	sadd.s32 $0x100, s26;
	[sflag:s16] =	ssyncadd.s32 $0xFFFFC000  }
0x95: {  	[tilespmem:s15], [sflag:$0x1] =	stream.indirect.gather [hbm4b:s11+s18], $0x80, s28, s18, $0xb8;
	[tilespmem:$0x1E400] =	vst v63  }
0x96: {  	_ =	swait.ge [sflag:s21], $0x4000  }
0x97: {  	[sflag:s21] =	ssyncset.done $0x0  }
.Ltmp2:
0x98: {  	s28 =	sadd.s32 $0x1480, s26;
	[sflag:s21] =	ssyncadd.s32 $0xFFFFC000;
	(pc) =	sbr.rel @p0 .LBB2_6-.Ltmp2, $4  }
0x99: {  	[spmem:s1] =	stream.indirect.scatter.add.f32 [tilespmem:s19], [sflag:$0x3], $0x80, s28, s18, $0xb8;
	[tilespmem:$0x1E400] =	vst v63  }
0x9a: {  	_ =	swait.ge [sflag:s16], $0x4000  }
0x9b: {  	[sflag:s16] =	ssyncset.done $0x0  }
0x9c: {  	s26 =	sadd.s32 $0x180, s26;
	[sflag:s16] =	ssyncadd.s32 $0xFFFFC000  }
0x9d: {  	[tilespmem:s19], [sflag:$0x2] =	stream.indirect.gather [hbm4b:s11+s18], $0x80, s26, s18, $0xb8;
	[tilespmem:$0x1E400] =	vst v63  }
0x9e: {  	_ =	swait.ge [sflag:s20], $0x4000  }
0x9f: {  	[sflag:s20] =	ssyncset.done $0x0  }
0xa0: {  	[sflag:s20] =	ssyncadd.s32 $0xFFFFC000  }
0xa1: {  	[spmem:s1] =	stream.indirect.scatter.add.f32 [tilespmem:s15], [sflag:$0x3], $0x80, s22, s18, $0xb8;
	[tilespmem:$0x1E400] =	vst v63  }
0xa2: {  	_ =	swait.ge [sflag:s16], $0x4000  }
0xa3: {  	[sflag:s16] =	ssyncset.done $0x0  }
0xa4: {  	[sflag:s16] =	ssyncadd.s32 $0xFFFFC000  }
0xa5: {  	_ =	swait.ge [sflag:s21], $0x4000  }
0xa6: {  	[sflag:s21] =	ssyncset.done $0x0  }
0xa7: {  	[sflag:s21] =	ssyncadd.s32 $0xFFFFC000  }
0xa8: {  	[spmem:s1] =	stream.indirect.scatter.add.f32 [tilespmem:s19], [sflag:$0x3], $0x80, s23, s18, $0xb8;
	[tilespmem:$0x1E400] =	vst v63  }
0xa9: {  	_ =	swait.ge [sflag:s16], $0x4000  }
0xaa: {  	s25 =	sshll.u32 s3, $0x6;
	s2 =	sadd.s32 $0x1, s2;
	[sflag:s16] =	ssyncset.done $0x0  }
0xab: {  	s31 =	sshrl.u32 s4, $0x3;
	p0 =	sne.s32 s2, s14;
	[sflag:s16] =	ssyncadd.s32 $0xFFFFC000  }
.Ltmp3:
0xac: {  	s25 =	sor.u32 $0x1C03, s25;
	[bflag:$0x0] =	sbarrier.arrive $0xFFFF;
	(pc) =	sbr.rel @p0 .LBB2_1-.Ltmp3, $4  }
0xad: {  	[hbm:s24], [sflag:s25] =	dma.local [spmem:s31], $0x2780  }
0xae: {  	_ =	swait.ge [sflag:s16], $0x2780  }
0xaf: {  	[sflag:s16] =	ssyncset.done $0x0  }
0xb0: {  	[sflag:s16] =	ssyncadd.s32 $0xFFFFD880  }
0xb1: {  	_ =	sfence.sel $0x180000  }
0xb2: {  	[bflag:$0x0] =	sbarrier.arrive $0xFFFF  }
0xb3: {  	p0 =	sne.s32 s3, $0x0;
	_ =	strace $0x9000004A  }
0xb4: {  	s0 =	sadd.s32 @!p0 $0x100000, s0;
	[bflag:$0x2] =	sbarrier.arrive $0xFFFF  }
0xb5: {  	[sflag:s0] =	ssyncadd.tile.s32 @!p0 $0x1;
	_ =	shalt  }
.Lfunc_end2:
_tile_overlayer_lowered:
.L_overlay_start_2:
0xb6: {  	(tag) =	ssettag $0x2  }
0xb7: {  	s0 =	rddreg [dreg:$0x0];
	s2 =	stileid.u32  }
0xb8: {  	s1 =	rddreg [dreg:$0x1];
	p0 =	sne.s32 s2, $0x0  }
0xb9: {  	s3 =	rddreg [dreg:$0x2];
	[bflag:$0x3] =	sbarrier.arrive $0xFFFF;
	s2 =	simm.s32 @!p0 $0x1C03  }
0xba: {  	[timem:s3], [sflag:s2] =	dma.local @!p0 [hbm:s0], s1  }
0xbb: {  	s0 =	simm.s32 @!p0 $0x3  }
0xbc: {  	_ =	swait.ge @!p0 [sflag:s0], s1  }
0xbd: {  	s1 =	ssub.s32 @!p0 $0x0, s1;
	[sflag:s0] =	ssyncset.done @!p0 $0x0  }
0xbe: {  	[sflag:s0] =	ssyncadd.s32 @!p0 s1  }
0xbf: {  	[bflag:$0x3] =	sbarrier.arrive $0xFFFF  }
0xc0: {  	_ =	shalt  }

// kernel: kernel.15.cloned.1.call-start
scs
__scs_entry_jumppad:
0x0: {  	(pc) =	sbr.rel $0x88, $3  }
0x1: {  	(tag) =	ssettag $0x0;
	lr =	simm.s32 $0x1  }
0x2: {  	[smem:$0x3F9B] =	sst lr;
	_ =	strace $0xD0000000  }
0x3: {  	_ = 	snop  }
0x4: {  	_ = 	snop  }
0x5: {  	_ = 	snop  }
0x6: {  	_ = 	snop  }
0x7: {  	_ = 	snop  }
__scs_overlays_trampoline_lowered:
0x8: {  	[smem:$0x3FAA] =	sst s0  }
0x9: {  	[smem:$0x3FAB] =	sst s1  }
0xa: {  	[smem:$0x3FAC] =	sst s2  }
0xb: {  	[smem:$0x3FAD] =	sst s3  }
0xc: {  	[smem:$0x3FAE] =	sst s4  }
0xd: {  	[smem:$0x3FAF] =	sst s5  }
0xe: {  	[smem:$0x3FB0] =	sst s6  }
0xf: {  	[smem:$0x3FB1] =	sst s7  }
0x10: {  	[smem:$0x3FB2] =	sst s8  }
0x11: {  	[smem:$0x3FB3] =	sst s9;
	s0 =	simm.s32 @!p0 $0x0  }
0x12: {  	s1 =	sld [smem:$0x3F99];
	s0 =	simm.s32 @p0 $0x1  }
0x13: {  	[smem:$0x3FB4] =	sst s0;
	s0 =	simm.s32 @!p1 $0x0  }
0x14: {  	s2 =	sld [smem:$0x3F98];
	s0 =	simm.s32 @p1 $0x1  }
0x15: {  	[smem:$0x3FB5] =	sst s0;
	s0 =	simm.s32 @!p2 $0x0  }
0x16: {  	s3 =	sld [smem:$0x3FDB];
	s0 =	simm.s32 @p2 $0x1  }
0x17: {  	s4 =	simm.s32 $0x1BF5;
	[smem:$0x3FB7] =	sst s0  }
0x18: {  	s0 =	sld [smem:$0x3F9A];
	_ =	swait.ge [sflag:s4], $0x0  }
0x19: {  	s7 =	sld [smem:$0x3F9B]  }
0x1a: {  	s8 =	sadd.s32 $0xFFFFE003, lr  }
0x1b: {  	s9 =	sadd.s32 $0xFFFFFEF7, lr;
	s5 =	simm.s32 $0xFFFFFFFF;
	p2 =	slt.u32 s8, $0xFFFFF086  }
0x1c: {  	p1 =	slt.u32 s9, $0xF7A;
	s5 =	simm.s32 @!p2 $0x0  }
0x1d: {  	s5 =	simm.s32 @p1 $0x1;
	p0 =	seq.s32 s7, s2  }
0x1e: {  	s7 =	smul.u32 @!p0 $0xF7A, s2;
	p2 =	seq.s32 @!p0 s5, $0x0  }
0x1f: {  	s9 =	smul.u32 $0xF7A, s1;
	s8 =	simm.s32 @!p0 $0x1BF5;
	p2 =	por !p2, p0  }
0x20: {  	[sflag:s8] =	ssyncset.s32 @!p0 $0xFFFFF086;
	s6 =	sadd.s32 @!p0 s3, s7;
	s7 =	simm.s32 @!p0 $0x108  }
0x21: {  	s3 =	sadd.s32 s3, s9;
	s6 =	sadd.s32 @!p0 $0x88, s6;
	s7 =	simm.s32 @p2 $0x1082  }
0x22: {  	[simem:s7], [sflag:s8] =	dma.local @!p0 [hbm:s6], $0xF7A  }
0x23: {  	s9 =	sor.u32 $0xD0000000, s2;
	s6 =	simm.s32 $0x108;
	_ =	swait.ge @!p0 [sflag:s8], $0x0  }
0x24: {  	s3 =	sadd.s32 $0x88, s3;
	s6 =	simm.s32 @!p1 $0x1082;
	[sflag:s4] =	ssyncset.s32 $0xFFFFF086  }
0x25: {  	[simem:s6], [sflag:s4] =	dma.local [hbm:s3], $0xF7A  }
0x26: {  	[smem:$0x3F9B] =	sst s1;
	(tag) =	ssettag s2;
	_ =	strace s9  }
0x27: {  	s1 =	sld [smem:$0x3FAB]  }
0x28: {  	s2 =	sld [smem:$0x3FAC]  }
0x29: {  	s4 =	sld [smem:$0x3FAE]  }
0x2a: {  	p0 =	seq.s32 s5, $0x0;
	s5 =	sld [smem:$0x3FAF]  }
0x2b: {  	s6 =	sld [smem:$0x3FB0]  }
0x2c: {  	s7 =	sld [smem:$0x3FB1]  }
0x2d: {  	s3 =	simm.s32 $0x108;
	s8 =	sld [smem:$0x3FB2]  }
0x2e: {  	s3 =	simm.s32 @!p0 $0x1082;
	s9 =	sld [smem:$0x3FB3]  }
0x2f: {  	lr =	sadd.s32 s0, s3;
	s0 =	sld [smem:$0x3FAA]  }
0x30: {  	s3 =	sld [smem:$0x3FAD]  }
0x31: {  	[smem:$0x3FB6] =	sst s10  }
0x32: {  	s10 =	sld [smem:$0x3FB4];
	_ =	sdelay $0x3  }
0x33: {  	p0 =	seq.s32 s10, $0x1;
	s10 =	sld [smem:$0x3FB6];
	_ =	sdelay $0x3  }
0x34: {  	[smem:$0x3FB6] =	sst s10  }
0x35: {  	s10 =	sld [smem:$0x3FB5];
	_ =	sdelay $0x3  }
0x36: {  	p1 =	seq.s32 s10, $0x1;
	s10 =	sld [smem:$0x3FB6];
	_ =	sdelay $0x3  }
0x37: {  	[smem:$0x3FB6] =	sst s10  }
0x38: {  	s10 =	sld [smem:$0x3FB7]  }
0x39: {  	_ = 	snop;
	(pc) =	sbr.ind lr, $3  }
0x3a: {  	_ = 	snop  }
0x3b: {  	_ = 	snop  }
0x3c: {  	p2 =	seq.s32 s10, $0x1;
	s10 =	sld [smem:$0x3FB6]  }
0x3d: {  	_ =	shalt  }
0x3e: {  	_ =	shalt  }
0x3f: {  	_ =	shalt  }
0x40: {  	_ =	shalt  }
0x41: {  	_ =	shalt  }
0x42: {  	_ =	shalt  }
0x43: {  	_ =	shalt  }
0x44: {  	_ =	shalt  }
0x45: {  	_ =	shalt  }
0x46: {  	_ =	shalt  }
0x47: {  	_ =	shalt  }
0x48: {  	_ =	shalt  }
0x49: {  	_ =	shalt  }
0x4a: {  	_ =	shalt  }
0x4b: {  	_ =	shalt  }
0x4c: {  	_ =	shalt  }
0x4d: {  	_ =	shalt  }
0x4e: {  	_ =	shalt  }
0x4f: {  	_ =	shalt  }
0x50: {  	_ =	shalt  }
0x51: {  	_ =	shalt  }
0x52: {  	_ =	shalt  }
0x53: {  	_ =	shalt  }
0x54: {  	_ =	shalt  }
0x55: {  	_ =	shalt  }
0x56: {  	_ =	shalt  }
0x57: {  	_ =	shalt  }
0x58: {  	_ =	shalt  }
0x59: {  	_ =	shalt  }
0x5a: {  	_ =	shalt  }
0x5b: {  	_ =	shalt  }
0x5c: {  	_ =	shalt  }
0x5d: {  	_ =	shalt  }
0x5e: {  	_ =	shalt  }
0x5f: {  	_ =	shalt  }
0x60: {  	_ =	shalt  }
0x61: {  	_ =	shalt  }
0x62: {  	_ =	shalt  }
0x63: {  	_ =	shalt  }
0x64: {  	_ =	shalt  }
0x65: {  	_ =	shalt  }
0x66: {  	_ =	shalt  }
0x67: {  	_ =	shalt  }
0x68: {  	_ =	shalt  }
0x69: {  	_ =	shalt  }
0x6a: {  	_ =	shalt  }
0x6b: {  	_ =	shalt  }
0x6c: {  	_ =	shalt  }
0x6d: {  	_ =	shalt  }
0x6e: {  	_ =	shalt  }
0x6f: {  	_ =	shalt  }
0x70: {  	_ =	shalt  }
0x71: {  	_ =	shalt  }
0x72: {  	_ =	shalt  }
0x73: {  	_ =	shalt  }
0x74: {  	_ =	shalt  }
0x75: {  	_ =	shalt  }
0x76: {  	_ =	shalt  }
0x77: {  	_ =	shalt  }
0x78: {  	_ =	shalt  }
0x79: {  	_ =	shalt  }
0x7a: {  	_ =	shalt  }
0x7b: {  	_ =	shalt  }
0x7c: {  	_ =	shalt  }
0x7d: {  	_ =	shalt  }
0x7e: {  	_ =	shalt  }
0x7f: {  	_ =	shalt  }
0x80: {  	_ =	shalt  }
0x81: {  	_ =	shalt  }
0x82: {  	_ =	shalt  }
0x83: {  	_ =	shalt  }
0x84: {  	_ =	shalt  }
0x85: {  	_ =	shalt  }
0x86: {  	_ =	shalt  }
0x87: {  	_ =	shalt  }
.Lfunc_end0:
.L_simem_size_0:
called_computation.2_lowered:
.L_overlay_start_0:
0x88: {  	s2 =	sld [smem:$0x3FD9]  }
0x89: {  	s3 =	sld [smem:$0x3FFE];
	_ =	sdelay $0x1  }
0x8a: {  	s1 =	srdreg.scid  }
0x8b: {  	s0 =	sand.u32 $0x1, s1  }
0x8c: {  	s16 =	sshll.u32 s0, $0xA;
	s2 =	sadd.s32 s3, s2  }
0x8d: {  	s2 =	sadd.s32 s2, s16  }
0x8e: {  	[smem:$0x3FC2] =	sst s2  }
0x8f: {  	_ = 	snop  }
0x90: {  	(tm) =	ssettm $0x1  }
0x91: {  	s17 =	sld [smem:$0x3FFB];
	_ =	sdelay $0x3  }
0x92: {  	_ =	strace s17  }
0x93: {  	s2 =	sld [smem:$0x3FFC];
	_ =	sdelay $0x3  }
0x94: {  	_ =	strace s2  }
0x95: {  	s2 =	sld [smem:$0x3FFD];
	_ =	sdelay $0x3  }
0x96: {  	_ =	strace s2  }
0x97: {  	_ =	strace $0x8FFFFFFF  }
0x98: {  	s18 =	sld [smem:$0x3FDB];
	_ =	sdelay $0x1  }
0x99: {  	s19 =	simm.s32 $_scs_section_size  }
0x9a: {  	s4 =	simm.s32 $_size__tile_overlayer_lowered;
	s5 =	simm.s32 $_tile_overlayer_lowered  }
0x9b: {  	s22 =	simm.s32 $0x1BFF;
	s21 =	sshll.u32 s5, $0x1;
	s2 =	sadd.s32 s19, s18  }
0x9c: {  	s6 =	simm.s32 $0x0;
	s20 =	sshll.u32 s4, $0x1;
	s4 =	sadd.s32 s21, s2  }
0x9d: {  	[timem:s6], [sflag:s22] =	dma.local [hbm:s4], s20  }
0x9e: {  	_ =	swait.ge [sflag:s22], s20  }
0x9f: {  	s3 =	ssub.s32 $0x0, s20;
	[sflag:s22] =	ssyncset.done $0x0  }
0xa0: {  	[sflag:s22] =	ssyncadd.s32 s3;
	_ =	sdelay $0x1  }
0xa1: {  	s23 =	simm.s32 $0x1B8B  }
0xa2: {  	_ =	swait.ge [sflag:s23], $0x1  }
0xa3: {  	[sflag:s23] =	ssyncset.done $0x0  }
0xa4: {  	s25 =	simm.s32 $0x1B8E;
	s24 =	sld [smem:$0x3FFE];
	[sflag:s23] =	ssyncadd.s32 $0xFFFFFFFF  }
0xa5: {  	s26 =	simm.s32 $execute0_lowered;
	[smem:$0x3FD2] =	sst s25  }
0xa6: {  	s4 =	sshll.u32 s26, $0x1;
	_ =	strace $0x8000004C;
	[dreg:$0x1] =	wrdreg $0xFFFFFFFF  }
0xa7: {  	s28 =	simm.s32 $_size_execute0_lowered;
	s2 =	sadd.s32 s2, s4;
	[dreg:$0x0] =	wrdreg $0x0  }
0xa8: {  	s4 =	sshll.u32 s28, $0x1;
	[dreg:$0x2] =	wrdreg s2  }
0xa9: {  	[dreg:$0x3] =	wrdreg s4  }
0xaa: {  	[dreg:$0x4] =	wrdreg $0xC0  }
0xab: {  	_ =	task [dreg:s6], $0x5FFFF  }
0xac: {  	[dreg:$0x1] =	wrdreg $0xFFFFFFFF  }
0xad: {  	[dreg:$0x0] =	wrdreg $0x60  }
0xae: {  	[dreg:$0x2] =	wrdreg s24  }
0xaf: {  	[dreg:$0x3] =	wrdreg $0xA8000  }
0xb0: {  	[dreg:$0x4] =	wrdreg $0x9  }
0xb1: {  	_ =	task.clear_ibuf [dreg:s6], $0x5FFFF;
	_ =	strace $0x9000004C  }
0xb2: {  	s29 =	simm.s32 $0x9;
	_ =	strace $0x8000004E  }
0xb3: {  	_ =	swait.ge [sflag:s29], $0x1  }
0xb4: {  	[sflag:s29] =	ssyncadd.s32 $0xFFFFFFFF  }
0xb5: {  	_ =	strace $0x9000004E  }
0xb6: {  	_ =	sfence  }
0xb7: {  	s30 =	sld [smem:$0x0];
	_ =	sdelay $0x2  }
0xb8: {  	s31 =	sshll.u32 s1, $0xD;
	s1 =	sshrl.u32 s1, $0x2  }
0xb9: {  	s3 =	sand.u32 $0x4000, s31;
	s1 =	sadd.s32 s1, s30  }
0xba: {  	s0 =	sor.u32 s3, s0;
	s1 =	sshll.u32 s1, $0x11  }
0xbb: {  	s0 =	sor.u32 s1, s0  }
0xbc: {  	s0 =	sadd.s32 $0x8F2B, s0  }
0xbd: {  	[sflag:s0] =	ssyncadd.remote.s32 $0x1  }
0xbe: {  	_ =	sfence.sel $0xFFFF  }
0xbf: {  	[dreg:$0x0] =	wrdreg $0xFFFFFFFF;
	(pc) =	sbr.abs _section_cstart, $3  }
0xc0: {  	[dreg:$0x1] =	wrdreg $0xFFFFFFFF  }
0xc1: {  	_ =	task.clear_ibuf [dreg:s6], $0x2FFFF;
	_ =	strace $0x9FFFFFFF  }
0xc2: {  	(tm) =	ssettm $0x7FFFFFFF  }
0xc3: {  	_ =	shalt  }
tec
execute0_lowered:
.L_overlay_start_1:
0x0: {  	(tag) =	ssettag $0x1  }
0x1: {  	s6 =	rddreg [dreg:$0x0]  }
0x2: {  	s1 =	rddreg [dreg:$0x1]  }
0x3: {  	s2 =	srdreg.scid;
	s0 =	rddreg [dreg:$0x2];
	s3 =	simm.s32 $0x0  }
0x4: {  	s14 =	simm.s32 $0x3;
	s15 =	simm.s32 $0x1400;
	s16 =	simm.s32 $0x80  }
0x5: {  	s17 =	simm.s32 $0x6800;
	s18 =	simm.s32 $0x1;
	s19 =	simm.s32 $0x2  }
0x6: {  	s20 =	simm.s32 $0x2700;
	s5 =	sand.u32 $0x1, s2;
	s2 =	stileid.u32  }
0x7: {  	s21 =	simm.s32 $0x2780;
	[smem:$0x7FF] =	sst s3;
	s8 =	smul.u32 $0x4F000, s2  }
0x8: {  	s4 =	sshll.u32 s5, $0x4;
	_ =	strace $0x8000004D;
	s9 =	smul.u32 $0x27800, s5  }
0x9: {  	s10 =	ssub.s32 $0x2, s5;
	s23 =	smul.u32 $0x2780, s2;
	s7 =	sor.u32 s2, s4  }
0xa: {  	s4 =	sadd.s32 $0xBE00, s6;
	s31 =	sshrl.u32 s10, $0x1;
	s7 =	smul.u32 $0x280, s7  }
0xb: {  	s30 =	sshrl.u32 s8, $0x2;
	s12 =	sadd.s32 s9, s6;
	s13 =	ssub.s32 s10, s31  }
0xc: {  	s5 =	sadd.s32 s30, s1;
	s22 =	sadd.s32 $0x33600, s12;
	s12 =	smax.u32 s13, $0x1  }
0xd: {  	s13 =	simm.s32 $0x2800;
	s11 =	sadd.s32 s7, s6;
	s6 =	sadd.s32 $0x4000, s5  }
0xe: {  	s7 =	sadd.s32 $0x8000, s5;
	s8 =	sadd.s32 $0xC000, s5;
	s9 =	sadd.s32 $0x10000, s5  }
0xf: {  	v0 =	vimm.f32 $0.0e+00;
	s22 =	sadd.s32 s23, s22;
	s10 =	sadd.s32 $0x1E00, s11;
	s11 =	sadd.s32 $0x6E00, s11  }
.LBB2_1:
0x10: {  	s23 =	simm.s32 $0x0;
	s24 =	simm.s32 $0x200  }
.LBB2_2:
0x11: {  	p0 =	sne.s32 s24, $0xFE00;
	[tilespmem:s23+$0x2870] =	vst v0  }
0x12: {  	[tilespmem:s23+$0x2800] =	vst v0  }
0x13: {  	[tilespmem:s23+$0x2810] =	vst v0  }
.Ltmp0:
0x14: {  	[tilespmem:s23+$0x2820] =	vst v0;
	(pc) =	sbr.rel @p0 .LBB2_2-.Ltmp0, $4  }
0x15: {  	[tilespmem:s23+$0x2830] =	vst v0  }
0x16: {  	[tilespmem:s23+$0x2840] =	vst v0  }
0x17: {  	[tilespmem:s23+$0x2850] =	vst v0  }
0x18: {  	[tilespmem:s23+$0x2860] =	vst v0;
	s23 =	sshra.s32 s24, $0x2;
	s24 =	sadd.s32 $0x200, s24  }
0x19: {  	[tilespmem:s23+$0x2870] =	vst v0  }
0x1a: {  	[tilespmem:s23+$0x2800] =	vst v0  }
0x1b: {  	[tilespmem:s23+$0x2810] =	vst v0  }
0x1c: {  	[tilespmem:s23+$0x2820] =	vst v0  }
0x1d: {  	[tilespmem:s23+$0x2830] =	vst v0  }
0x1e: {  	[tilespmem:s23+$0x2840] =	vst v0  }
0x1f: {  	[tilespmem:s23+$0x2850] =	vst v0  }
0x20: {  	[tilespmem:s23+$0x2860] =	vst v0  }
0x21: {  	[spmem:s5] =	stream.linear.scatter [tilespmem:s13], [sflag:$0x3], $0x4000, $0x38;
	[tilespmem:$0x1E400] =	vst v63  }
0x22: {  	_ =	swait.ge [sflag:s14], $0x4000  }
0x23: {  	[sflag:s14] =	ssyncset.done $0x0  }
0x24: {  	[sflag:s14] =	ssyncadd.s32 $0xFFFFC000  }
0x25: {  	[spmem:s6] =	stream.linear.scatter [tilespmem:s13], [sflag:$0x3], $0x4000, $0x38;
	[tilespmem:$0x1E400] =	vst v63  }
0x26: {  	_ =	swait.ge [sflag:s14], $0x4000  }
0x27: {  	[sflag:s14] =	ssyncset.done $0x0  }
0x28: {  	[sflag:s14] =	ssyncadd.s32 $0xFFFFC000  }
0x29: {  	[spmem:s7] =	stream.linear.scatter [tilespmem:s13], [sflag:$0x3], $0x4000, $0x38;
	[tilespmem:$0x1E400] =	vst v63  }
0x2a: {  	_ =	swait.ge [sflag:s14], $0x4000  }
0x2b: {  	[sflag:s14] =	ssyncset.done $0x0  }
0x2c: {  	[sflag:s14] =	ssyncadd.s32 $0xFFFFC000  }
0x2d: {  	[spmem:s8] =	stream.linear.scatter [tilespmem:s13], [sflag:$0x3], $0x4000, $0x38;
	[tilespmem:$0x1E400] =	vst v63  }
0x2e: {  	_ =	swait.ge [sflag:s14], $0x4000  }
0x2f: {  	[sflag:s14] =	ssyncset.done $0x0  }
0x30: {  	[sflag:s14] =	ssyncadd.s32 $0xFFFFC000  }
0x31: {  	[spmem:s9] =	stream.linear.scatter [tilespmem:s13], [sflag:$0x3], $0x3C00, $0x38;
	[tilespmem:$0x1E400] =	vst v63  }
0x32: {  	_ =	swait.ge [sflag:s14], $0x3C00  }
0x33: {  	[sflag:s14] =	ssyncset.done $0x0  }
0x34: {  	[sflag:s14] =	ssyncadd.s32 $0xFFFFC400  }
0x35: {  	s28 =	simm.s32 $0x0;
	[bflag:$0x0] =	sbarrier.arrive $0xFFFF  }
0x36: {  	[tilespmem:s28], [sflag:$0x3] =	stream.linear.gather [hbm4b:s10+s28], $0x1400, $0x38;
	[tilespmem:$0x1E400] =	vst v63  }
0x37: {  	_ =	swait.ge [sflag:s14], $0x1400  }
0x38: {  	[sflag:s14] =	ssyncset.done $0x0  }
0x39: {  	[sflag:s14] =	ssyncadd.s32 $0xFFFFEC00  }
0x3a: {  	[tilespmem:s15], [sflag:$0x3] =	stream.linear.gather [hbm4b:s11+s28], $0x1400, $0x38;
	[tilespmem:$0x1E400] =	vst v63  }
0x3b: {  	_ =	swait.ge [sflag:s14], $0x1400  }
0x3c: {  	[sflag:s14] =	ssyncset.done $0x0  }
0x3d: {  	[sflag:s14] =	ssyncadd.s32 $0xFFFFEC00  }
0x3e: {  	[tilespmem:s13], [sflag:$0x1] =	stream.indirect.gather [hbm4b:s4+s16], $0x80, s28, s16, $0xb8;
	[tilespmem:$0x1E400] =	vst v63  }
0x3f: {  	_ = 	snop  }
0x40: {  	[tilespmem:s17], [sflag:$0x2] =	stream.indirect.gather [hbm4b:s4+s16], $0x80, s16, s16, $0xb8;
	[tilespmem:$0x1E400] =	vst v63  }
0x41: {  	_ =	swait.ge [sflag:s18], $0x4000  }
0x42: {  	[sflag:s18] =	ssyncset.done $0x0  }
0x43: {  	s29 =	simm.s32 $0x1400;
	[sflag:s18] =	ssyncadd.s32 $0xFFFFC000  }
0x44: {  	[spmem:s1] =	stream.indirect.scatter.add.f32 [tilespmem:s13], [sflag:$0x3], $0x80, s29, s16, $0xb8;
	[tilespmem:$0x1E400] =	vst v63  }
0x45: {  	_ =	swait.ge [sflag:s14], $0x4000  }
0x46: {  	[sflag:s14] =	ssyncset.done $0x0  }
0x47: {  	s30 =	simm.s32 $0x100;
	[sflag:s14] =	ssyncadd.s32 $0xFFFFC000  }
0x48: {  	[tilespmem:s13], [sflag:$0x1] =	stream.indirect.gather [hbm4b:s4+s16], $0x80, s30, s16, $0xb8;
	[tilespmem:$0x1E400] =	vst v63  }
0x49: {  	_ =	swait.ge [sflag:s19], $0x4000  }
0x4a: {  	[sflag:s19] =	ssyncset.done $0x0  }
0x4b: {  	s31 =	simm.s32 $0x1480;
	[sflag:s19] =	ssyncadd.s32 $0xFFFFC000  }
0x4c: {  	[spmem:s1] =	stream.indirect.scatter.add.f32 [tilespmem:s17], [sflag:$0x3], $0x80, s31, s16, $0xb8;
	[tilespmem:$0x1E400] =	vst v63  }
0x4d: {  	_ =	swait.ge [sflag:s14], $0x4000  }
0x4e: {  	[sflag:s14] =	ssyncset.done $0x0  }
0x4f: {  	s23 =	simm.s32 $0x400;
	s24 =	simm.s32 $0x180;
	[sflag:s14] =	ssyncadd.s32 $0xFFFFC000  }
.LBB2_4:
0x50: {  	[tilespmem:s17], [sflag:$0x2] =	stream.indirect.gather [hbm4b:s4+s16], $0x80, s24, s16, $0xb8;
	[tilespmem:$0x1E400] =	vst v63  }
0x51: {  	s24 =	smov.u32 s23  }
0x52: {  	p0 =	sne.s32 s23, $0x4800;
	s23 =	sadd.s32 $0x400, s23;
	_ =	swait.ge [sflag:s18], $0x4000  }
0x53: {  	s24 =	sshra.s32 s24, $0x2;
	[sflag:s18] =	ssyncset.done $0x0  }
0x54: {  	s25 =	sadd.s32 $0x1400, s24;
	[sflag:s18] =	ssyncadd.s32 $0xFFFFC000  }
0x55: {  	[spmem:s1] =	stream.indirect.scatter.add.f32 [tilespmem:s13], [sflag:$0x3], $0x80, s25, s16, $0xb8;
	[tilespmem:$0x1E400] =	vst v63  }
0x56: {  	_ =	swait.ge [sflag:s14], $0x4000  }
0x57: {  	[sflag:s14] =	ssyncset.done $0x0  }
0x58: {  	s25 =	sadd.s32 $0x100, s24;
	[sflag:s14] =	ssyncadd.s32 $0xFFFFC000  }
0x59: {  	[tilespmem:s13], [sflag:$0x1] =	stream.indirect.gather [hbm4b:s4+s16], $0x80, s25, s16, $0xb8;
	[tilespmem:$0x1E400] =	vst v63  }
0x5a: {  	_ =	swait.ge [sflag:s19], $0x4000  }
0x5b: {  	[sflag:s19] =	ssyncset.done $0x0  }
.Ltmp1:
0x5c: {  	s25 =	sadd.s32 $0x1480, s24;
	[sflag:s19] =	ssyncadd.s32 $0xFFFFC000;
	(pc) =	sbr.rel @p0 .LBB2_4-.Ltmp1, $4  }
0x5d: {  	[spmem:s1] =	stream.indirect.scatter.add.f32 [tilespmem:s17], [sflag:$0x3], $0x80, s25, s16, $0xb8;
	[tilespmem:$0x1E400] =	vst v63  }
0x5e: {  	_ =	swait.ge [sflag:s14], $0x4000  }
0x5f: {  	[sflag:s14] =	ssyncset.done $0x0  }
0x60: {  	s24 =	sadd.s32 $0x180, s24;
	[sflag:s14] =	ssyncadd.s32 $0xFFFFC000  }
0x61: {  	[tilespmem:s17], [sflag:$0x2] =	stream.indirect.gather [hbm4b:s4+s16], $0x80, s24, s16, $0xb8;
	[tilespmem:$0x1E400] =	vst v63  }
0x62: {  	_ =	swait.ge [sflag:s18], $0x4000  }
0x63: {  	[sflag:s18] =	ssyncset.done $0x0  }
0x64: {  	[sflag:s18] =	ssyncadd.s32 $0xFFFFC000  }
0x65: {  	[spmem:s1] =	stream.indirect.scatter.add.f32 [tilespmem:s13], [sflag:$0x3], $0x80, s20, s16, $0xb8;
	[tilespmem:$0x1E400] =	vst v63  }
0x66: {  	_ =	swait.ge [sflag:s14], $0x4000  }
0x67: {  	[sflag:s14] =	ssyncset.done $0x0  }
0x68: {  	[sflag:s14] =	ssyncadd.s32 $0xFFFFC000  }
0x69: {  	_ =	swait.ge [sflag:s19], $0x4000  }
0x6a: {  	[sflag:s19] =	ssyncset.done $0x0  }
0x6b: {  	[sflag:s19] =	ssyncadd.s32 $0xFFFFC000  }
0x6c: {  	[spmem:s1] =	stream.indirect.scatter.add.f32 [tilespmem:s17], [sflag:$0x3], $0x80, s21, s16, $0xb8;
	[tilespmem:$0x1E400] =	vst v63  }
0x6d: {  	_ =	swait.ge [sflag:s14], $0x4000  }
0x6e: {  	s23 =	sshll.u32 s2, $0x6;
	s3 =	sadd.s32 $0x1, s3;
	[sflag:s14] =	ssyncset.done $0x0  }
0x6f: {  	s31 =	sshrl.u32 s5, $0x3;
	p0 =	sne.s32 s3, s12;
	[sflag:s14] =	ssyncadd.s32 $0xFFFFC000  }
.Ltmp2:
0x70: {  	s23 =	sor.u32 $0x1C03, s23;
	[bflag:$0x0] =	sbarrier.arrive $0xFFFF;
	(pc) =	sbr.rel @p0 .LBB2_1-.Ltmp2, $4  }
0x71: {  	[hbm:s22], [sflag:s23] =	dma.local [spmem:s31], $0x2780  }
0x72: {  	_ =	swait.ge [sflag:s14], $0x2780  }
0x73: {  	[sflag:s14] =	ssyncset.done $0x0  }
0x74: {  	[sflag:s14] =	ssyncadd.s32 $0xFFFFD880  }
0x75: {  	_ =	sfence.sel $0x180000  }
0x76: {  	[bflag:$0x0] =	sbarrier.arrive $0xFFFF  }
0x77: {  	p0 =	sne.s32 s2, $0x0;
	_ =	strace $0x9000004D  }
0x78: {  	s0 =	sadd.s32 @!p0 $0x100000, s0;
	[bflag:$0x2] =	sbarrier.arrive $0xFFFF  }
0x79: {  	[sflag:s0] =	ssyncadd.tile.s32 @!p0 $0x1;
	_ =	shalt  }
.Lfunc_end2:
_tile_overlayer_lowered:
.L_overlay_start_2:
0x7a: {  	(tag) =	ssettag $0x2  }
0x7b: {  	s0 =	rddreg [dreg:$0x0];
	s2 =	stileid.u32  }
0x7c: {  	s1 =	rddreg [dreg:$0x1];
	p0 =	sne.s32 s2, $0x0  }
0x7d: {  	s3 =	rddreg [dreg:$0x2];
	[bflag:$0x3] =	sbarrier.arrive $0xFFFF;
	s2 =	simm.s32 @!p0 $0x1C03  }
0x7e: {  	[timem:s3], [sflag:s2] =	dma.local @!p0 [hbm:s0], s1  }
0x7f: {  	s0 =	simm.s32 @!p0 $0x3  }
0x80: {  	_ =	swait.ge @!p0 [sflag:s0], s1  }
0x81: {  	s1 =	ssub.s32 @!p0 $0x0, s1;
	[sflag:s0] =	ssyncset.done @!p0 $0x0  }
0x82: {  	[sflag:s0] =	ssyncadd.s32 @!p0 s1  }
0x83: {  	[bflag:$0x3] =	sbarrier.arrive $0xFFFF  }
0x84: {  	_ =	shalt  }

// kernel: kernel.9.cloned.1.call-start
scs
__scs_entry_jumppad:
0x0: {  	(pc) =	sbr.rel $0x88, $3  }
0x1: {  	(tag) =	ssettag $0x0;
	lr =	simm.s32 $0x1  }
0x2: {  	[smem:$0x3F9B] =	sst lr;
	_ =	strace $0xD0000000  }
0x3: {  	_ = 	snop  }
0x4: {  	_ = 	snop  }
0x5: {  	_ = 	snop  }
0x6: {  	_ = 	snop  }
0x7: {  	_ = 	snop  }
__scs_overlays_trampoline_lowered:
0x8: {  	[smem:$0x3FAA] =	sst s0  }
0x9: {  	[smem:$0x3FAB] =	sst s1  }
0xa: {  	[smem:$0x3FAC] =	sst s2  }
0xb: {  	[smem:$0x3FAD] =	sst s3  }
0xc: {  	[smem:$0x3FAE] =	sst s4  }
0xd: {  	[smem:$0x3FAF] =	sst s5  }
0xe: {  	[smem:$0x3FB0] =	sst s6  }
0xf: {  	[smem:$0x3FB1] =	sst s7  }
0x10: {  	[smem:$0x3FB2] =	sst s8  }
0x11: {  	[smem:$0x3FB3] =	sst s9;
	s0 =	simm.s32 @!p0 $0x0  }
0x12: {  	s1 =	sld [smem:$0x3F99];
	s0 =	simm.s32 @p0 $0x1  }
0x13: {  	[smem:$0x3FB4] =	sst s0;
	s0 =	simm.s32 @!p1 $0x0  }
0x14: {  	s2 =	sld [smem:$0x3F98];
	s0 =	simm.s32 @p1 $0x1  }
0x15: {  	[smem:$0x3FB5] =	sst s0;
	s0 =	simm.s32 @!p2 $0x0  }
0x16: {  	s3 =	sld [smem:$0x3FDB];
	s0 =	simm.s32 @p2 $0x1  }
0x17: {  	s4 =	simm.s32 $0x1BF5;
	[smem:$0x3FB7] =	sst s0  }
0x18: {  	s0 =	sld [smem:$0x3F9A];
	_ =	swait.ge [sflag:s4], $0x0  }
0x19: {  	s7 =	sld [smem:$0x3F9B]  }
0x1a: {  	s8 =	sadd.s32 $0xFFFFE003, lr  }
0x1b: {  	s9 =	sadd.s32 $0xFFFFFEF7, lr;
	s5 =	simm.s32 $0xFFFFFFFF;
	p2 =	slt.u32 s8, $0xFFFFF086  }
0x1c: {  	p1 =	slt.u32 s9, $0xF7A;
	s5 =	simm.s32 @!p2 $0x0  }
0x1d: {  	s5 =	simm.s32 @p1 $0x1;
	p0 =	seq.s32 s7, s2  }
0x1e: {  	s7 =	smul.u32 @!p0 $0xF7A, s2;
	p2 =	seq.s32 @!p0 s5, $0x0  }
0x1f: {  	s9 =	smul.u32 $0xF7A, s1;
	s8 =	simm.s32 @!p0 $0x1BF5;
	p2 =	por !p2, p0  }
0x20: {  	[sflag:s8] =	ssyncset.s32 @!p0 $0xFFFFF086;
	s6 =	sadd.s32 @!p0 s3, s7;
	s7 =	simm.s32 @!p0 $0x108  }
0x21: {  	s3 =	sadd.s32 s3, s9;
	s6 =	sadd.s32 @!p0 $0x88, s6;
	s7 =	simm.s32 @p2 $0x1082  }
0x22: {  	[simem:s7], [sflag:s8] =	dma.local @!p0 [hbm:s6], $0xF7A  }
0x23: {  	s9 =	sor.u32 $0xD0000000, s2;
	s6 =	simm.s32 $0x108;
	_ =	swait.ge @!p0 [sflag:s8], $0x0  }
0x24: {  	s3 =	sadd.s32 $0x88, s3;
	s6 =	simm.s32 @!p1 $0x1082;
	[sflag:s4] =	ssyncset.s32 $0xFFFFF086  }
0x25: {  	[simem:s6], [sflag:s4] =	dma.local [hbm:s3], $0xF7A  }
0x26: {  	[smem:$0x3F9B] =	sst s1;
	(tag) =	ssettag s2;
	_ =	strace s9  }
0x27: {  	s1 =	sld [smem:$0x3FAB]  }
0x28: {  	s2 =	sld [smem:$0x3FAC]  }
0x29: {  	s4 =	sld [smem:$0x3FAE]  }
0x2a: {  	p0 =	seq.s32 s5, $0x0;
	s5 =	sld [smem:$0x3FAF]  }
0x2b: {  	s6 =	sld [smem:$0x3FB0]  }
0x2c: {  	s7 =	sld [smem:$0x3FB1]  }
0x2d: {  	s3 =	simm.s32 $0x108;
	s8 =	sld [smem:$0x3FB2]  }
0x2e: {  	s3 =	simm.s32 @!p0 $0x1082;
	s9 =	sld [smem:$0x3FB3]  }
0x2f: {  	lr =	sadd.s32 s0, s3;
	s0 =	sld [smem:$0x3FAA]  }
0x30: {  	s3 =	sld [smem:$0x3FAD]  }
0x31: {  	[smem:$0x3FB6] =	sst s10  }
0x32: {  	s10 =	sld [smem:$0x3FB4];
	_ =	sdelay $0x3  }
0x33: {  	p0 =	seq.s32 s10, $0x1;
	s10 =	sld [smem:$0x3FB6];
	_ =	sdelay $0x3  }
0x34: {  	[smem:$0x3FB6] =	sst s10  }
0x35: {  	s10 =	sld [smem:$0x3FB5];
	_ =	sdelay $0x3  }
0x36: {  	p1 =	seq.s32 s10, $0x1;
	s10 =	sld [smem:$0x3FB6];
	_ =	sdelay $0x3  }
0x37: {  	[smem:$0x3FB6] =	sst s10  }
0x38: {  	s10 =	sld [smem:$0x3FB7]  }
0x39: {  	_ = 	snop;
	(pc) =	sbr.ind lr, $3  }
0x3a: {  	_ = 	snop  }
0x3b: {  	_ = 	snop  }
0x3c: {  	p2 =	seq.s32 s10, $0x1;
	s10 =	sld [smem:$0x3FB6]  }
0x3d: {  	_ =	shalt  }
0x3e: {  	_ =	shalt  }
0x3f: {  	_ =	shalt  }
0x40: {  	_ =	shalt  }
0x41: {  	_ =	shalt  }
0x42: {  	_ =	shalt  }
0x43: {  	_ =	shalt  }
0x44: {  	_ =	shalt  }
0x45: {  	_ =	shalt  }
0x46: {  	_ =	shalt  }
0x47: {  	_ =	shalt  }
0x48: {  	_ =	shalt  }
0x49: {  	_ =	shalt  }
0x4a: {  	_ =	shalt  }
0x4b: {  	_ =	shalt  }
0x4c: {  	_ =	shalt  }
0x4d: {  	_ =	shalt  }
0x4e: {  	_ =	shalt  }
0x4f: {  	_ =	shalt  }
0x50: {  	_ =	shalt  }
0x51: {  	_ =	shalt  }
0x52: {  	_ =	shalt  }
0x53: {  	_ =	shalt  }
0x54: {  	_ =	shalt  }
0x55: {  	_ =	shalt  }
0x56: {  	_ =	shalt  }
0x57: {  	_ =	shalt  }
0x58: {  	_ =	shalt  }
0x59: {  	_ =	shalt  }
0x5a: {  	_ =	shalt  }
0x5b: {  	_ =	shalt  }
0x5c: {  	_ =	shalt  }
0x5d: {  	_ =	shalt  }
0x5e: {  	_ =	shalt  }
0x5f: {  	_ =	shalt  }
0x60: {  	_ =	shalt  }
0x61: {  	_ =	shalt  }
0x62: {  	_ =	shalt  }
0x63: {  	_ =	shalt  }
0x64: {  	_ =	shalt  }
0x65: {  	_ =	shalt  }
0x66: {  	_ =	shalt  }
0x67: {  	_ =	shalt  }
0x68: {  	_ =	shalt  }
0x69: {  	_ =	shalt  }
0x6a: {  	_ =	shalt  }
0x6b: {  	_ =	shalt  }
0x6c: {  	_ =	shalt  }
0x6d: {  	_ =	shalt  }
0x6e: {  	_ =	shalt  }
0x6f: {  	_ =	shalt  }
0x70: {  	_ =	shalt  }
0x71: {  	_ =	shalt  }
0x72: {  	_ =	shalt  }
0x73: {  	_ =	shalt  }
0x74: {  	_ =	shalt  }
0x75: {  	_ =	shalt  }
0x76: {  	_ =	shalt  }
0x77: {  	_ =	shalt  }
0x78: {  	_ =	shalt  }
0x79: {  	_ =	shalt  }
0x7a: {  	_ =	shalt  }
0x7b: {  	_ =	shalt  }
0x7c: {  	_ =	shalt  }
0x7d: {  	_ =	shalt  }
0x7e: {  	_ =	shalt  }
0x7f: {  	_ =	shalt  }
0x80: {  	_ =	shalt  }
0x81: {  	_ =	shalt  }
0x82: {  	_ =	shalt  }
0x83: {  	_ =	shalt  }
0x84: {  	_ =	shalt  }
0x85: {  	_ =	shalt  }
0x86: {  	_ =	shalt  }
0x87: {  	_ =	shalt  }
.Lfunc_end0:
.L_simem_size_0:
called_computation_lowered:
.L_overlay_start_0:
0x88: {  	s2 =	sld [smem:$0x3FD9]  }
0x89: {  	s3 =	sld [smem:$0x3FFE];
	_ =	sdelay $0x1  }
0x8a: {  	s1 =	srdreg.scid  }
0x8b: {  	s0 =	sand.u32 $0x1, s1  }
0x8c: {  	s17 =	sshll.u32 s0, $0xA;
	s2 =	sadd.s32 s3, s2  }
0x8d: {  	s2 =	sadd.s32 s2, s17  }
0x8e: {  	[smem:$0x3FC2] =	sst s2  }
0x8f: {  	_ = 	snop  }
0x90: {  	s2 =	sld [smem:$0x3FD0];
	(tm) =	ssettm $0x1  }
0x91: {  	s18 =	sld [smem:$0x3FFB];
	_ =	sdelay $0x3  }
0x92: {  	_ =	strace s18  }
0x93: {  	s3 =	sld [smem:$0x3FFC];
	_ =	sdelay $0x3  }
0x94: {  	_ =	strace s3  }
0x95: {  	s3 =	sld [smem:$0x3FFD];
	_ =	sdelay $0x3  }
0x96: {  	_ =	strace s3  }
0x97: {  	_ =	strace $0x8FFFFFFF  }
0x98: {  	s19 =	sld [smem:$0x3FDB];
	_ =	sdelay $0x1  }
0x99: {  	s4 =	simm.s32 $_scs_section_size  }
0x9a: {  	s5 =	simm.s32 $_size__tile_overlayer_lowered;
	s6 =	simm.s32 $_tile_overlayer_lowered  }
0x9b: {  	s22 =	simm.s32 $0x1BFF;
	s21 =	sshll.u32 s6, $0x1;
	s3 =	sadd.s32 s4, s19  }
0x9c: {  	s7 =	simm.s32 $0x0;
	s20 =	sshll.u32 s5, $0x1;
	s5 =	sadd.s32 s21, s3  }
0x9d: {  	[timem:s7], [sflag:s22] =	dma.local [hbm:s5], s20  }
0x9e: {  	_ =	swait.ge [sflag:s22], s20  }
0x9f: {  	s4 =	ssub.s32 $0x0, s20;
	[sflag:s22] =	ssyncset.done $0x0  }
0xa0: {  	[sflag:s22] =	ssyncadd.s32 s4;
	_ =	sdelay $0x1  }
0xa1: {  	s23 =	simm.s32 $0x1B8B  }
0xa2: {  	_ =	swait.ge [sflag:s23], $0x1  }
0xa3: {  	[sflag:s23] =	ssyncset.done $0x0  }
0xa4: {  	s25 =	simm.s32 $0x1B8E;
	s24 =	sld [smem:$0x3FFE];
	[sflag:s23] =	ssyncadd.s32 $0xFFFFFFFF  }
0xa5: {  	s26 =	simm.s32 $execute0_lowered;
	[smem:$0x3FD2] =	sst s25  }
0xa6: {  	s5 =	sshll.u32 s26, $0x1;
	_ =	strace $0x80000046;
	[dreg:$0x1] =	wrdreg $0xFFFFFFFF  }
0xa7: {  	s28 =	simm.s32 $_size_execute0_lowered;
	s3 =	sadd.s32 s3, s5;
	[dreg:$0x0] =	wrdreg $0x0  }
0xa8: {  	s5 =	sshll.u32 s28, $0x1;
	[dreg:$0x2] =	wrdreg s3  }
0xa9: {  	[dreg:$0x3] =	wrdreg s5  }
0xaa: {  	[dreg:$0x4] =	wrdreg $0xC0  }
0xab: {  	_ =	task [dreg:s7], $0x5FFFF  }
0xac: {  	[dreg:$0x1] =	wrdreg $0xFFFFFFFF  }
0xad: {  	[dreg:$0x0] =	wrdreg $0x60  }
0xae: {  	[dreg:$0x2] =	wrdreg s24  }
0xaf: {  	[dreg:$0x3] =	wrdreg s2  }
0xb0: {  	[dreg:$0x4] =	wrdreg $0x9  }
0xb1: {  	_ =	task.clear_ibuf [dreg:s7], $0x5FFFF;
	_ =	strace $0x90000046  }
0xb2: {  	s29 =	simm.s32 $0x9;
	_ =	strace $0x80000048  }
0xb3: {  	_ =	swait.ge [sflag:s29], $0x1  }
0xb4: {  	[sflag:s29] =	ssyncadd.s32 $0xFFFFFFFF  }
0xb5: {  	_ =	strace $0x90000048  }
0xb6: {  	_ =	sfence  }
0xb7: {  	s30 =	sld [smem:$0x0];
	_ =	sdelay $0x2  }
0xb8: {  	s31 =	sshll.u32 s1, $0xD;
	s1 =	sshrl.u32 s1, $0x2  }
0xb9: {  	s3 =	sand.u32 $0x4000, s31;
	s1 =	sadd.s32 s1, s30  }
0xba: {  	s0 =	sor.u32 s3, s0;
	s1 =	sshll.u32 s1, $0x11  }
0xbb: {  	s0 =	sor.u32 s1, s0  }
0xbc: {  	s0 =	sadd.s32 $0x8F2B, s0  }
0xbd: {  	[sflag:s0] =	ssyncadd.remote.s32 $0x1  }
0xbe: {  	_ =	sfence.sel $0xFFFF  }
0xbf: {  	[dreg:$0x0] =	wrdreg $0xFFFFFFFF;
	(pc) =	sbr.abs _section_cstart, $3  }
0xc0: {  	[dreg:$0x1] =	wrdreg $0xFFFFFFFF  }
0xc1: {  	_ =	task.clear_ibuf [dreg:s7], $0x2FFFF;
	_ =	strace $0x9FFFFFFF  }
0xc2: {  	(tm) =	ssettm $0x7FFFFFFF  }
0xc3: {  	_ =	shalt  }
tec
execute0_lowered:
.L_overlay_start_1:
0x0: {  	(tag) =	ssettag $0x1  }
0x1: {  	s0 =	srdreg.scid  }
0x2: {  	s4 =	rddreg [dreg:$0x0];
	s3 =	sand.u32 $0x1, s0  }
0x3: {  	s5 =	rddreg [dreg:$0x1];
	s0 =	stileid.u32;
	s1 =	sshll.u32 s3, $0x4  }
0x4: {  	s2 =	simm.s32 $0x0;
	s9 =	simm.s32 $0x400;
	s6 =	sor.u32 s0, s1  }
0x5: {  	s10 =	simm.s32 $0x0;
	[smem:$0x7FF] =	sst s2;
	s7 =	sshrl.u32 s6, $0x3  }
0x6: {  	s8 =	sshll.u32 s0, $0x7;
	s3 =	ssub.s32 $0x2, s3;
	s7 =	smul.u32 $0x13C00, s7  }
0x7: {  	s1 =	rddreg [dreg:$0x2];
	s8 =	sand.u32 $0x380, s8;
	s6 =	smul.u32 $0x280, s6  }
0x8: {  	_ =	strace $0x80000047;
	s31 =	sshrl.u32 s3, $0x1;
	s7 =	sor.u32 s8, s7  }
0x9: {  	s4 =	sadd.s32 s6, s4;
	s6 =	ssub.s32 s3, s31;
	s7 =	sshrl.u32 s7, $0x3  }
0xa: {  	s3 =	sadd.s32 $0x6E00, s4;
	s8 =	simm.s32 $0x80;
	s4 =	sadd.s32 s5, s7  }
0xb: {  	v0 =	vimm.f32 $0.0e+00;
	v1 =	vimm.f32 $1.000000000e+00;
	s5 =	smax.u32 s6, $0x1;
	s6 =	simm.s32 $0x1;
	s7 =	simm.s32 $0x1400  }
.LBB2_1:
0xc: {  	s11 =	simm.s32 $0x40;
	s12 =	simm.s32 $0x0  }
.LBB2_2:
0xd: {  	p0 =	sne.s32 s11, $0x9DC0;
	[tilespmem:s12+$0x1400] =	vst v0;
	s12 =	smov.u32 s11;
	s11 =	sadd.s32 $0x40, s11  }
.Ltmp0:
0xe: {  	(pc) =	sbr.rel @p0 .LBB2_2-.Ltmp0, $2  }
0xf: {  	_ =	sdelay $0x2  }
0x10: {  	s12 =	sshra.s32 s12, $0x2  }
0x11: {  	[tilespmem:s12+$0x1400] =	vst v0  }
0x12: {  	[tilespmem:s2], [sflag:$0x1] =	stream.linear.gather [hbm4b:s3+s2], $0x1400, $0x38;
	[tilespmem:$0x3B80] =	vst v63  }
0x13: {  	_ =	swait.ge [sflag:s6], $0x1400  }
0x14: {  	[sflag:s6] =	ssyncset.done $0x0  }
0x15: {  	s11 =	simm.s32 $0x1C0;
	[sflag:s6] =	ssyncadd.s32 $0xFFFFEC00  }
.LBB2_4:
0x16: {  	s12 =	sshra.s32 s11, $0x2  }
0x17: {  	v2 =	vld [tilespmem:s12+$0xFFFFFF90];
	_ =	sdelay $0x7  }
0x18: {  	[tilespmem:v2+s7+$0x0] =	vst.idx.add.f32.msk $0xffff, v1  }
0x19: {  	v2 =	vld [tilespmem:s12+$0xFFFFFFA0];
	_ =	sdelay $0x7  }
0x1a: {  	[tilespmem:v2+s7+$0x0] =	vst.idx.add.f32.msk $0xffff, v1  }
0x1b: {  	v2 =	vld [tilespmem:s12+$0xFFFFFFB0];
	_ =	sdelay $0x7  }
0x1c: {  	[tilespmem:v2+s7+$0x0] =	vst.idx.add.f32.msk $0xffff, v1  }
0x1d: {  	v2 =	vld [tilespmem:s12+$0xFFFFFFC0];
	_ =	sdelay $0x7  }
0x1e: {  	[tilespmem:v2+s7+$0x0] =	vst.idx.add.f32.msk $0xffff, v1  }
0x1f: {  	v2 =	vld [tilespmem:s12+$0xFFFFFFD0];
	_ =	sdelay $0x7  }
0x20: {  	[tilespmem:v2+s7+$0x0] =	vst.idx.add.f32.msk $0xffff, v1  }
0x21: {  	v2 =	vld [tilespmem:s12+$0xFFFFFFE0];
	_ =	sdelay $0x7  }
0x22: {  	[tilespmem:v2+s7+$0x0] =	vst.idx.add.f32.msk $0xffff, v1  }
0x23: {  	v2 =	vld [tilespmem:s12+$0xFFFFFFF0];
	_ =	sdelay $0x7  }
0x24: {  	[tilespmem:v2+s7+$0x0] =	vst.idx.add.f32.msk $0xffff, v1  }
0x25: {  	v2 =	vld [tilespmem:s12+$0x0];
	_ =	sdelay $0x2  }
0x26: {  	p0 =	sne.s32 s11, $0x4FC0  }
.Ltmp1:
0x27: {  	_ = 	snop;
	(pc) =	sbr.rel @p0 .LBB2_4-.Ltmp1, $2  }
0x28: {  	_ =	sdelay $0x2  }
0x29: {  	s11 =	sadd.s32 $0x200, s11;
	[tilespmem:v2+s7+$0x0] =	vst.idx.add.f32.msk $0xffff, v1  }
0x2a: {  	s10 =	sadd.s32 $0x1, s10  }
0x2b: {  	p0 =	sne.s32 s10, s5  }
.Ltmp2:
0x2c: {  	_ = 	snop;
	(pc) =	sbr.rel @p0 .LBB2_1-.Ltmp2, $4  }
0x2d: {  	[hbm4b:s4+s8] =	stream.strided.scatter [tilespmem:s7], [sflag:$0x1], $0x2780, s9, s8, $0x38;
	[tilespmem:$0x3B80] =	vst v63  }
0x2e: {  	_ =	swait.ge [sflag:s6], $0x2780  }
0x2f: {  	[sflag:s6] =	ssyncset.done $0x0  }
0x30: {  	[sflag:s6] =	ssyncadd.s32 $0xFFFFD880  }
0x31: {  	_ =	sfence.sel $0x180000  }
0x32: {  	[bflag:$0x0] =	sbarrier.arrive $0xFFFF  }
0x33: {  	p0 =	sne.s32 s0, $0x0;
	_ =	strace $0x90000047  }
0x34: {  	s0 =	sadd.s32 @!p0 $0x100000, s1;
	[bflag:$0x2] =	sbarrier.arrive $0xFFFF  }
0x35: {  	[sflag:s0] =	ssyncadd.tile.s32 @!p0 $0x1;
	_ =	shalt  }
.Lfunc_end2:
_tile_overlayer_lowered:
.L_overlay_start_2:
0x36: {  	(tag) =	ssettag $0x2  }
0x37: {  	s0 =	rddreg [dreg:$0x0];
	s2 =	stileid.u32  }
0x38: {  	s1 =	rddreg [dreg:$0x1];
	p0 =	sne.s32 s2, $0x0  }
0x39: {  	s3 =	rddreg [dreg:$0x2];
	[bflag:$0x3] =	sbarrier.arrive $0xFFFF;
	s2 =	simm.s32 @!p0 $0x1C01  }
0x3a: {  	[timem:s3], [sflag:s2] =	dma.local @!p0 [hbm:s0], s1  }
0x3b: {  	s0 =	simm.s32 @!p0 $0x1  }
0x3c: {  	_ =	swait.ge @!p0 [sflag:s0], s1  }
0x3d: {  	s1 =	ssub.s32 @!p0 $0x0, s1;
	[sflag:s0] =	ssyncset.done @!p0 $0x0  }
0x3e: {  	[sflag:s0] =	ssyncadd.s32 @!p0 s1  }
0x3f: {  	[bflag:$0x3] =	sbarrier.arrive $0xFFFF  }
0x40: {  	_ =	shalt  }

</sc_bundles>
